<compile_context>
chip_gen: v7x
topology: tpu7x:2x2x1
jax: 0.10.2.dev20260603
libtpu: 0.0.44.dev20260713+nightly
codegen_flags: <defaults>
</compile_context>

<pallas_src>
import functools

import jax
import jax.numpy as jnp
from jax import lax
from jax.experimental import pallas as pl
from jax.experimental.pallas import tpu as pltpu
from jax.experimental.pallas import tpu_sc as plsc

_B = 2048
_C = 512
_T = 16
_H = 2
_NOUT = 8
_BT = 64

_NWORK = 32
_B_SC = 768
_B_TC = _B - _B_SC
_SPT = _B_SC // _NWORK
_ROW = _T * _H * 8 * 128
_NCOL = 1024 // 16


def _pool_kernel(x_ref, w_ref, o_ref):
    xb = x_ref[...]
    s = jnp.sum(xb, axis=(1, 2))
    acc = jnp.zeros((xb.shape[0], _NOUT), jnp.float32)
    for u in range(8):
        acc = acc + jax.lax.dot_general(
            s[:, u, :], w_ref[u],
            (((1,), (0,)), ((), ())),
            preferred_element_type=jnp.float32,
        )
    o_ref[...] = acc


def _gather16(v, idx):
    return lax.gather(
        v,
        idx[:, None],
        dimension_numbers=lax.GatherDimensionNumbers(
            offset_dims=(), collapsed_slice_dims=(0,), start_index_map=(0,)
        ),
        slice_sizes=(1,),
        mode=lax.GatherScatterMode.PROMISE_IN_BOUNDS,
    )


def _lane_total(v, lanes):
    for sh in (8, 4, 2, 1):
        v = v + _gather16(v, lanes ^ sh)
    return v


def _sc_kernel(x_hbm, w_hbm, o_hbm, xa_v, xb_v, w_v, o_v, sema, semb):
    wid = lax.axis_index("s") * 2 + lax.axis_index("c")
    base = wid * _SPT
    row0 = (_B_TC + base) * _ROW

    pltpu.sync_copy(w_hbm, w_v)
    pltpu.async_copy(x_hbm.at[pl.ds(row0, _ROW)], xa_v, sema)
    if _SPT > 1:
        pltpu.async_copy(x_hbm.at[pl.ds(row0 + _ROW, _ROW)], xb_v, semb)

    def sample_body(i, carry, buf, sem):
        del carry
        pltpu.make_async_copy(x_hbm.at[pl.ds(row0, _ROW)], buf, sem).wait()

        def col_body(col, accs):
            off = col * 16
            s = buf[pl.ds(off, 16)]
            for sp in range(1, 32):
                s = s + buf[pl.ds(off + sp * 1024, 16)]
            return tuple(
                accs[j] + s * w_v[pl.ds(j * 1024 + off, 16)]
                for j in range(5)
            )

        z = jnp.zeros((16,), jnp.float32)
        accs = lax.fori_loop(0, _NCOL, col_body, (z, z, z, z, z))
        lanes = lax.iota(jnp.int32, 16)
        row = w_v[pl.ds(5120, 16)]
        for j in range(5):
            row = jnp.where(lanes == j, row + _lane_total(accs[j], lanes), row)
        o_v[i] = row

        @pl.when(i + 2 < _SPT)
        def _():
            pltpu.async_copy(x_hbm.at[pl.ds(row0 + (i + 2) * _ROW, _ROW)], buf, sem)

        return 0

    def pair_body(g, carry):
        i = 2 * g
        carry = sample_body(i, carry, xa_v, sema)
        carry = sample_body(i + 1, carry, xb_v, semb)
        return carry

    lax.fori_loop(0, _SPT // 2, pair_body, 0)
    pltpu.sync_copy(o_v, o_hbm.at[pl.ds(base, _SPT)])


def kernel(x, start_boundaries, W_loc, b_loc, W_conf, b_conf):
    del start_boundaries
    x6 = x.reshape(_B, 4, 128, _T, _H, 2)
    xv = x6.transpose(0, 3, 4, 1, 5, 2).reshape(_B, _T, _H, 8, 128)

    Wc = jnp.concatenate([W_loc, W_conf], axis=0)
    Wp = jnp.pad(Wc, ((0, _NOUT - 5), (0, 0)))
    wv4 = (Wp.T / (_T * _H * 2)).reshape(4, 1, 128, _NOUT)
    wv = jnp.tile(wv4, (1, 2, 1, 1)).reshape(8, 128, _NOUT)

    out_tc = pl.pallas_call(
        _pool_kernel,
        grid=(_B_TC // _BT,),
        in_specs=[
            pl.BlockSpec((_BT, _T, _H, 8, 128), lambda i: (i, 0, 0, 0, 0)),
            pl.BlockSpec((8, 128, _NOUT), lambda i: (0, 0, 0)),
        ],
        out_specs=pl.BlockSpec((_BT, _NOUT), lambda i: (i, 0)),
        out_shape=jax.ShapeDtypeStruct((_B_TC, _NOUT), jnp.float32),
    )(xv, wv)

    if _B_SC == 0:
        loc = out_tc[:, :2] + b_loc
        conf = out_tc[:, 2:5] + b_conf
        return (loc, conf)

    wg = (Wc / (_T * _H * 2)).reshape(5, 4, 1, 8, 16)
    w_sc = jnp.broadcast_to(wg, (5, 4, 2, 8, 16)).reshape(5 * 1024)
    bias16 = jnp.pad(jnp.concatenate([b_loc, b_conf]), (0, 11))
    w_sc = jnp.concatenate([w_sc, bias16])

    x_flat = xv.reshape(_B * _ROW)

    mesh = plsc.VectorSubcoreMesh(core_axis_name="c", subcore_axis_name="s")
    sc_call = functools.partial(
        pl.kernel,
        mesh=mesh,
        out_type=jax.ShapeDtypeStruct((_B_SC, 16), jnp.float32),
        scratch_types=[
            pltpu.VMEM((_ROW,), jnp.float32),
            pltpu.VMEM((_ROW,), jnp.float32),
            pltpu.VMEM((5136,), jnp.float32),
            pltpu.VMEM((_SPT, 16), jnp.float32),
            pltpu.SemaphoreType.DMA,
            pltpu.SemaphoreType.DMA,
        ],
    )(_sc_kernel)
    out_sc = sc_call(x_flat, w_sc)

    loc = jnp.concatenate([out_tc[:, :2] + b_loc, out_sc[:, :2]], axis=0)
    conf = jnp.concatenate([out_tc[:, 2:5] + b_conf, out_sc[:, 2:5]], axis=0)
    return (loc, conf)

# --- scband reference (transcript-rebuilt; emitter-appended) ---
"""Pipeline reference for scband-multi-detector-87033217286358 (READ-ONLY COPY).

The authoritative reference and input builder live on the scoring server;
editing this copy changes nothing except your own understanding.
"""

import jax, jax.numpy as jnp
import numpy as np

B = 2048
C = 512
T, H, W = 16, 2, 2
NUM_CLASSES = 3


def setup_inputs(seed: int = 0) -> dict:
    key = jax.random.key(seed)
    k1, k2, k3, k4 = jax.random.split(key, 4)
    x = jax.random.normal(k1, (B, C, T, H, W), dtype=jnp.float32)
    start_boundaries = jax.random.randint(k2, (B,), 0, 1000)
    # loc_fc: Linear(C, 2); conf_fc: Linear(C, NUM_CLASSES)
    bound = 1.0 / np.sqrt(C)
    W_loc = jax.random.uniform(k3, (2, C), dtype=jnp.float32, minval=-bound, maxval=bound)
    b_loc = jnp.zeros((2,), dtype=jnp.float32)
    W_conf = jax.random.uniform(k4, (NUM_CLASSES, C), dtype=jnp.float32, minval=-bound, maxval=bound)
    b_conf = jnp.zeros((NUM_CLASSES,), dtype=jnp.float32)
    return {
        "x": x,
        "start_boundaries": start_boundaries,
        "W_loc": W_loc,
        "b_loc": b_loc,
        "W_conf": W_conf,
        "b_conf": b_conf,
    }


def reference(x, start_boundaries, W_loc, b_loc, W_conf, b_conf):
    # phase='train', extra_layers=False path of MultiDetector.forward
    batch_size = x.shape[0]
    # AvgPool3d with kernel_size == full (T,H,W) extent and stride=1 -> mean over spatial dims
    loc_x = jnp.mean(x, axis=(2, 3, 4))
    loc_x = loc_x.reshape(batch_size, -1)
    loc_x = loc_x @ W_loc.T + b_loc
    conf_x = jnp.mean(x, axis=(2, 3, 4))
    conf_x = conf_x.reshape(batch_size, -1)
    conf_x = conf_x @ W_conf.T + b_conf
    out = (loc_x.reshape(batch_size, 2), conf_x.reshape(batch_size, NUM_CLASSES))
    return out

if __name__ == "__main__":
    import jax
    _d = setup_inputs()
    print(jax.jit(kernel)(*tuple(_d.values())))

</pallas_src>

<mosaic_0001>
#map = affine_map<(d0, d1) -> (0)>
#map1 = affine_map<(d0, d1) -> (0, 0)>
module attributes {stable_mosaic.version = 14 : i64} {
  func.func @_sc_kernel(%arg0: i32, %arg1: i32, %arg2: memref<67108864xf32, #tpu.memory_space<hbm>>, %arg3: memref<5136xf32, #tpu.memory_space<hbm>>, %arg4: memref<768x16xf32, #tpu.memory_space<hbm>>, %arg5: memref<32768xf32, #tpu.memory_space<vmem>>, %arg6: memref<32768xf32, #tpu.memory_space<vmem>>, %arg7: memref<5136xf32, #tpu.memory_space<vmem>>, %arg8: memref<24x16xf32, #tpu.memory_space<vmem>>, %arg9: memref<!tpu.dma_semaphore, #tpu.memory_space<semaphore_mem>>, %arg10: memref<!tpu.dma_semaphore, #tpu.memory_space<semaphore_mem>>) attributes {dimension_semantics = [#tpu.dimension_semantics<core_parallel>, #tpu.dimension_semantics<subcore_parallel>], iteration_bounds = array<i64: 2, 16>, scalar_prefetch = 0 : i64, scratch_operands = 6 : i64, tpu.core_type = #tpu.core_type<sc_vector_subcore>, window_params = [{transform_indices = #map}, {transform_indices = #map}, {transform_indices = #map1}]} {
    %mul3A = arith.constant 2 : i32
    %mul3A_0 = arith.muli %arg1, %mul3A : i32
    %add3A = arith.addi %mul3A_0, %arg0 : i32
    %mul3A_1 = arith.constant 24 : i32
    %mul3A_2 = arith.muli %add3A, %mul3A_1 : i32
    %add3A_3 = arith.constant 1280 : i32
    %add3A_4 = arith.addi %add3A_3, %mul3A_2 : i32
    %mul3A_5 = arith.constant 32768 : i32
    %mul3A_6 = arith.muli %add3A_4, %mul3A_5 : i32
    "tpu.region"() ({
      %run_scoped3A = tpu.sem_alloc : memref<!tpu.dma_semaphore, #tpu.memory_space<semaphore_mem>>
      tpu.enqueue_dma source(%arg3 : memref<5136xf32, #tpu.memory_space<hbm>>) target(%arg7 : memref<5136xf32, #tpu.memory_space<vmem>>) target_semaphore(%run_scoped3A : memref<!tpu.dma_semaphore, #tpu.memory_space<semaphore_mem>>)
      tpu.wait_dma2 semaphore(%run_scoped3A : memref<!tpu.dma_semaphore, #tpu.memory_space<semaphore_mem>>) src(%arg3 : memref<5136xf32, #tpu.memory_space<hbm>>) dst(%arg7 : memref<5136xf32, #tpu.memory_space<vmem>>)
      tpu.yield
    }) : () -> ()
    %dma_start3A = tpu.memref_slice %arg2[%mul3A_6] : memref<67108864xf32, #tpu.memory_space<hbm>> -> memref<32768xf32, #tpu.memory_space<hbm>>
    %dma_start3A_7 = tpu.memref_slice %arg2[%mul3A_6] : memref<67108864xf32, #tpu.memory_space<hbm>> -> memref<32768xf32, #tpu.memory_space<hbm>>
    tpu.enqueue_dma source(%dma_start3A_7 : memref<32768xf32, #tpu.memory_space<hbm>>) target(%arg5 : memref<32768xf32, #tpu.memory_space<vmem>>) target_semaphore(%arg9 : memref<!tpu.dma_semaphore, #tpu.memory_space<semaphore_mem>>)
    %add3A_8 = arith.constant 32768 : i32
    %add3A_9 = arith.addi %mul3A_6, %add3A_8 : i32
    %dma_start3A_10 = tpu.memref_slice %arg2[%add3A_9] : memref<67108864xf32, #tpu.memory_space<hbm>> -> memref<32768xf32, #tpu.memory_space<hbm>>
    %dma_start3A_11 = tpu.memref_slice %arg2[%add3A_9] : memref<67108864xf32, #tpu.memory_space<hbm>> -> memref<32768xf32, #tpu.memory_space<hbm>>
    tpu.enqueue_dma source(%dma_start3A_11 : memref<32768xf32, #tpu.memory_space<hbm>>) target(%arg6 : memref<32768xf32, #tpu.memory_space<vmem>>) target_semaphore(%arg10 : memref<!tpu.dma_semaphore, #tpu.memory_space<semaphore_mem>>)
    %scan3A = arith.constant 0 : i32
    %scan3A_12 = arith.constant 0 : i32
    %scan3A_13 = arith.constant 12 : i32
    %scan3A_14 = arith.addi %scan3A_12, %scan3A_13 : i32
    %scan3A_15 = arith.constant 1 : i32
    %scan3A_16 = scf.for %scan3A_18 = %scan3A_12 to %scan3A_14 step %scan3A_15 iter_args(%scan3A_19 = %scan3A) -> (i32)  : i32 {
      %mul3A_20 = arith.constant 2 : i32
      %mul3A_21 = arith.muli %mul3A_20, %scan3A_18 : i32
      %dma_wait3A = tpu.memref_slice %arg2[%mul3A_6] : memref<67108864xf32, #tpu.memory_space<hbm>> -> memref<32768xf32, #tpu.memory_space<hbm>>
      %dma_wait3A_22 = tpu.memref_slice %arg2[%mul3A_6] : memref<67108864xf32, #tpu.memory_space<hbm>> -> memref<32768xf32, #tpu.memory_space<hbm>>
      tpu.wait_dma2 semaphore(%arg9 : memref<!tpu.dma_semaphore, #tpu.memory_space<semaphore_mem>>) src(%dma_wait3A_22 : memref<32768xf32, #tpu.memory_space<hbm>>) dst(%arg5 : memref<32768xf32, #tpu.memory_space<vmem>>)
      %broadcast_in_dim3A = arith.constant 0.000000e+00 : f32
      %broadcast_in_dim3A_23 = vector.broadcast %broadcast_in_dim3A : f32 to vector<16xf32>
      %scan3A_24 = arith.constant 0 : i32
      %scan3A_25 = arith.constant 64 : i32
      %scan3A_26 = arith.addi %scan3A_24, %scan3A_25 : i32
      %scan3A_27 = arith.constant 1 : i32
      %scan3A_28:5 = scf.for %scan3A_395 = %scan3A_24 to %scan3A_26 step %scan3A_27 iter_args(%scan3A_396 = %broadcast_in_dim3A_23, %scan3A_397 = %broadcast_in_dim3A_23, %scan3A_398 = %broadcast_in_dim3A_23, %scan3A_399 = %broadcast_in_dim3A_23, %scan3A_400 = %broadcast_in_dim3A_23) -> (vector<16xf32>, vector<16xf32>, vector<16xf32>, vector<16xf32>, vector<16xf32>)  : i32 {
        %mul3A_401 = arith.constant 16 : i32
        %mul3A_402 = arith.muli %scan3A_395, %mul3A_401 : i32
        %get3A_403 = arith.index_cast %mul3A_402 : i32 to index
        %get3A_404 = tpu.vector_load %arg5[%get3A_403] {strides = array<i32>} : memref<32768xf32, #tpu.memory_space<vmem>>, vector<16xf32>,
        %get3A_405 = vector.shape_cast %get3A_404 : vector<16xf32> to vector<16xf32>
        %add3A_406 = arith.constant 1024 : i32
        %add3A_407 = arith.addi %mul3A_402, %add3A_406 : i32
        %get3A_408 = arith.index_cast %add3A_407 : i32 to index
        %get3A_409 = tpu.vector_load %arg5[%get3A_408] {strides = array<i32>} : memref<32768xf32, #tpu.memory_space<vmem>>, vector<16xf32>,
        %get3A_410 = vector.shape_cast %get3A_409 : vector<16xf32> to vector<16xf32>
        %add3A_411 = arith.addf %get3A_405, %get3A_410 : vector<16xf32>
        %add3A_412 = arith.constant 2048 : i32
        %add3A_413 = arith.addi %mul3A_402, %add3A_412 : i32
        %get3A_414 = arith.index_cast %add3A_413 : i32 to index
        %get3A_415 = tpu.vector_load %arg5[%get3A_414] {strides = array<i32>} : memref<32768xf32, #tpu.memory_space<vmem>>, vector<16xf32>,
        %get3A_416 = vector.shape_cast %get3A_415 : vector<16xf32> to vector<16xf32>
        %add3A_417 = arith.addf %add3A_411, %get3A_416 : vector<16xf32>
        %add3A_418 = arith.constant 3072 : i32
        %add3A_419 = arith.addi %mul3A_402, %add3A_418 : i32
        %get3A_420 = arith.index_cast %add3A_419 : i32 to index
        %get3A_421 = tpu.vector_load %arg5[%get3A_420] {strides = array<i32>} : memref<32768xf32, #tpu.memory_space<vmem>>, vector<16xf32>,
        %get3A_422 = vector.shape_cast %get3A_421 : vector<16xf32> to vector<16xf32>
        %add3A_423 = arith.addf %add3A_417, %get3A_422 : vector<16xf32>
        %add3A_424 = arith.constant 4096 : i32
        %add3A_425 = arith.addi %mul3A_402, %add3A_424 : i32
        %get3A_426 = arith.index_cast %add3A_425 : i32 to index
        %get3A_427 = tpu.vector_load %arg5[%get3A_426] {strides = array<i32>} : memref<32768xf32, #tpu.memory_space<vmem>>, vector<16xf32>,
        %get3A_428 = vector.shape_cast %get3A_427 : vector<16xf32> to vector<16xf32>
        %add3A_429 = arith.addf %add3A_423, %get3A_428 : vector<16xf32>
        %add3A_430 = arith.constant 5120 : i32
        %add3A_431 = arith.addi %mul3A_402, %add3A_430 : i32
        %get3A_432 = arith.index_cast %add3A_431 : i32 to index
        %get3A_433 = tpu.vector_load %arg5[%get3A_432] {strides = array<i32>} : memref<32768xf32, #tpu.memory_space<vmem>>, vector<16xf32>,
        %get3A_434 = vector.shape_cast %get3A_433 : vector<16xf32> to vector<16xf32>
        %add3A_435 = arith.addf %add3A_429, %get3A_434 : vector<16xf32>
        %add3A_436 = arith.constant 6144 : i32
        %add3A_437 = arith.addi %mul3A_402, %add3A_436 : i32
        %get3A_438 = arith.index_cast %add3A_437 : i32 to index
        %get3A_439 = tpu.vector_load %arg5[%get3A_438] {strides = array<i32>} : memref<32768xf32, #tpu.memory_space<vmem>>, vector<16xf32>,
        %get3A_440 = vector.shape_cast %get3A_439 : vector<16xf32> to vector<16xf32>
        %add3A_441 = arith.addf %add3A_435, %get3A_440 : vector<16xf32>
        %add3A_442 = arith.constant 7168 : i32
        %add3A_443 = arith.addi %mul3A_402, %add3A_442 : i32
        %get3A_444 = arith.index_cast %add3A_443 : i32 to index
        %get3A_445 = tpu.vector_load %arg5[%get3A_444] {strides = array<i32>} : memref<32768xf32, #tpu.memory_space<vmem>>, vector<16xf32>,
        %get3A_446 = vector.shape_cast %get3A_445 : vector<16xf32> to vector<16xf32>
        %add3A_447 = arith.addf %add3A_441, %get3A_446 : vector<16xf32>
        %add3A_448 = arith.constant 8192 : i32
        %add3A_449 = arith.addi %mul3A_402, %add3A_448 : i32
        %get3A_450 = arith.index_cast %add3A_449 : i32 to index
        %get3A_451 = tpu.vector_load %arg5[%get3A_450] {strides = array<i32>} : memref<32768xf32, #tpu.memory_space<vmem>>, vector<16xf32>,
        %get3A_452 = vector.shape_cast %get3A_451 : vector<16xf32> to vector<16xf32>
        %add3A_453 = arith.addf %add3A_447, %get3A_452 : vector<16xf32>
        %add3A_454 = arith.constant 9216 : i32
        %add3A_455 = arith.addi %mul3A_402, %add3A_454 : i32
        %get3A_456 = arith.index_cast %add3A_455 : i32 to index
        %get3A_457 = tpu.vector_load %arg5[%get3A_456] {strides = array<i32>} : memref<32768xf32, #tpu.memory_space<vmem>>, vector<16xf32>,
        %get3A_458 = vector.shape_cast %get3A_457 : vector<16xf32> to vector<16xf32>
        %add3A_459 = arith.addf %add3A_453, %get3A_458 : vector<16xf32>
        %add3A_460 = arith.constant 10240 : i32
        %add3A_461 = arith.addi %mul3A_402, %add3A_460 : i32
        %get3A_462 = arith.index_cast %add3A_461 : i32 to index
        %get3A_463 = tpu.vector_load %arg5[%get3A_462] {strides = array<i32>} : memref<32768xf32, #tpu.memory_space<vmem>>, vector<16xf32>,
        %get3A_464 = vector.shape_cast %get3A_463 : vector<16xf32> to vector<16xf32>
        %add3A_465 = arith.addf %add3A_459, %get3A_464 : vector<16xf32>
        %add3A_466 = arith.constant 11264 : i32
        %add3A_467 = arith.addi %mul3A_402, %add3A_466 : i32
        %get3A_468 = arith.index_cast %add3A_467 : i32 to index
        %get3A_469 = tpu.vector_load %arg5[%get3A_468] {strides = array<i32>} : memref<32768xf32, #tpu.memory_space<vmem>>, vector<16xf32>,
        %get3A_470 = vector.shape_cast %get3A_469 : vector<16xf32> to vector<16xf32>
        %add3A_471 = arith.addf %add3A_465, %get3A_470 : vector<16xf32>
        %add3A_472 = arith.constant 12288 : i32
        %add3A_473 = arith.addi %mul3A_402, %add3A_472 : i32
        %get3A_474 = arith.index_cast %add3A_473 : i32 to index
        %get3A_475 = tpu.vector_load %arg5[%get3A_474] {strides = array<i32>} : memref<32768xf32, #tpu.memory_space<vmem>>, vector<16xf32>,
        %get3A_476 = vector.shape_cast %get3A_475 : vector<16xf32> to vector<16xf32>
        %add3A_477 = arith.addf %add3A_471, %get3A_476 : vector<16xf32>
        %add3A_478 = arith.constant 13312 : i32
        %add3A_479 = arith.addi %mul3A_402, %add3A_478 : i32
        %get3A_480 = arith.index_cast %add3A_479 : i32 to index
        %get3A_481 = tpu.vector_load %arg5[%get3A_480] {strides = array<i32>} : memref<32768xf32, #tpu.memory_space<vmem>>, vector<16xf32>,
        %get3A_482 = vector.shape_cast %get3A_481 : vector<16xf32> to vector<16xf32>
        %add3A_483 = arith.addf %add3A_477, %get3A_482 : vector<16xf32>
        %add3A_484 = arith.constant 14336 : i32
        %add3A_485 = arith.addi %mul3A_402, %add3A_484 : i32
        %get3A_486 = arith.index_cast %add3A_485 : i32 to index
        %get3A_487 = tpu.vector_load %arg5[%get3A_486] {strides = array<i32>} : memref<32768xf32, #tpu.memory_space<vmem>>, vector<16xf32>,
        %get3A_488 = vector.shape_cast %get3A_487 : vector<16xf32> to vector<16xf32>
        %add3A_489 = arith.addf %add3A_483, %get3A_488 : vector<16xf32>
        %add3A_490 = arith.constant 15360 : i32
        %add3A_491 = arith.addi %mul3A_402, %add3A_490 : i32
        %get3A_492 = arith.index_cast %add3A_491 : i32 to index
        %get3A_493 = tpu.vector_load %arg5[%get3A_492] {strides = array<i32>} : memref<32768xf32, #tpu.memory_space<vmem>>, vector<16xf32>,
        %get3A_494 = vector.shape_cast %get3A_493 : vector<16xf32> to vector<16xf32>
        %add3A_495 = arith.addf %add3A_489, %get3A_494 : vector<16xf32>
        %add3A_496 = arith.constant 16384 : i32
        %add3A_497 = arith.addi %mul3A_402, %add3A_496 : i32
        %get3A_498 = arith.index_cast %add3A_497 : i32 to index
        %get3A_499 = tpu.vector_load %arg5[%get3A_498] {strides = array<i32>} : memref<32768xf32, #tpu.memory_space<vmem>>, vector<16xf32>,
        %get3A_500 = vector.shape_cast %get3A_499 : vector<16xf32> to vector<16xf32>
        %add3A_501 = arith.addf %add3A_495, %get3A_500 : vector<16xf32>
        %add3A_502 = arith.constant 17408 : i32
        %add3A_503 = arith.addi %mul3A_402, %add3A_502 : i32
        %get3A_504 = arith.index_cast %add3A_503 : i32 to index
        %get3A_505 = tpu.vector_load %arg5[%get3A_504] {strides = array<i32>} : memref<32768xf32, #tpu.memory_space<vmem>>, vector<16xf32>,
        %get3A_506 = vector.shape_cast %get3A_505 : vector<16xf32> to vector<16xf32>
        %add3A_507 = arith.addf %add3A_501, %get3A_506 : vector<16xf32>
        %add3A_508 = arith.constant 18432 : i32
        %add3A_509 = arith.addi %mul3A_402, %add3A_508 : i32
        %get3A_510 = arith.index_cast %add3A_509 : i32 to index
        %get3A_511 = tpu.vector_load %arg5[%get3A_510] {strides = array<i32>} : memref<32768xf32, #tpu.memory_space<vmem>>, vector<16xf32>,
        %get3A_512 = vector.shape_cast %get3A_511 : vector<16xf32> to vector<16xf32>
        %add3A_513 = arith.addf %add3A_507, %get3A_512 : vector<16xf32>
        %add3A_514 = arith.constant 19456 : i32
        %add3A_515 = arith.addi %mul3A_402, %add3A_514 : i32
        %get3A_516 = arith.index_cast %add3A_515 : i32 to index
        %get3A_517 = tpu.vector_load %arg5[%get3A_516] {strides = array<i32>} : memref<32768xf32, #tpu.memory_space<vmem>>, vector<16xf32>,
        %get3A_518 = vector.shape_cast %get3A_517 : vector<16xf32> to vector<16xf32>
        %add3A_519 = arith.addf %add3A_513, %get3A_518 : vector<16xf32>
        %add3A_520 = arith.constant 20480 : i32
        %add3A_521 = arith.addi %mul3A_402, %add3A_520 : i32
        %get3A_522 = arith.index_cast %add3A_521 : i32 to index
        %get3A_523 = tpu.vector_load %arg5[%get3A_522] {strides = array<i32>} : memref<32768xf32, #tpu.memory_space<vmem>>, vector<16xf32>,
        %get3A_524 = vector.shape_cast %get3A_523 : vector<16xf32> to vector<16xf32>
        %add3A_525 = arith.addf %add3A_519, %get3A_524 : vector<16xf32>
        %add3A_526 = arith.constant 21504 : i32
        %add3A_527 = arith.addi %mul3A_402, %add3A_526 : i32
        %get3A_528 = arith.index_cast %add3A_527 : i32 to index
        %get3A_529 = tpu.vector_load %arg5[%get3A_528] {strides = array<i32>} : memref<32768xf32, #tpu.memory_space<vmem>>, vector<16xf32>,
        %get3A_530 = vector.shape_cast %get3A_529 : vector<16xf32> to vector<16xf32>
        %add3A_531 = arith.addf %add3A_525, %get3A_530 : vector<16xf32>
        %add3A_532 = arith.constant 22528 : i32
        %add3A_533 = arith.addi %mul3A_402, %add3A_532 : i32
        %get3A_534 = arith.index_cast %add3A_533 : i32 to index
        %get3A_535 = tpu.vector_load %arg5[%get3A_534] {strides = array<i32>} : memref<32768xf32, #tpu.memory_space<vmem>>, vector<16xf32>,
        %get3A_536 = vector.shape_cast %get3A_535 : vector<16xf32> to vector<16xf32>
        %add3A_537 = arith.addf %add3A_531, %get3A_536 : vector<16xf32>
        %add3A_538 = arith.constant 23552 : i32
        %add3A_539 = arith.addi %mul3A_402, %add3A_538 : i32
        %get3A_540 = arith.index_cast %add3A_539 : i32 to index
        %get3A_541 = tpu.vector_load %arg5[%get3A_540] {strides = array<i32>} : memref<32768xf32, #tpu.memory_space<vmem>>, vector<16xf32>,
        %get3A_542 = vector.shape_cast %get3A_541 : vector<16xf32> to vector<16xf32>
        %add3A_543 = arith.addf %add3A_537, %get3A_542 : vector<16xf32>
        %add3A_544 = arith.constant 24576 : i32
        %add3A_545 = arith.addi %mul3A_402, %add3A_544 : i32
        %get3A_546 = arith.index_cast %add3A_545 : i32 to index
        %get3A_547 = tpu.vector_load %arg5[%get3A_546] {strides = array<i32>} : memref<32768xf32, #tpu.memory_space<vmem>>, vector<16xf32>,
        %get3A_548 = vector.shape_cast %get3A_547 : vector<16xf32> to vector<16xf32>
        %add3A_549 = arith.addf %add3A_543, %get3A_548 : vector<16xf32>
        %add3A_550 = arith.constant 25600 : i32
        %add3A_551 = arith.addi %mul3A_402, %add3A_550 : i32
        %get3A_552 = arith.index_cast %add3A_551 : i32 to index
        %get3A_553 = tpu.vector_load %arg5[%get3A_552] {strides = array<i32>} : memref<32768xf32, #tpu.memory_space<vmem>>, vector<16xf32>,
        %get3A_554 = vector.shape_cast %get3A_553 : vector<16xf32> to vector<16xf32>
        %add3A_555 = arith.addf %add3A_549, %get3A_554 : vector<16xf32>
        %add3A_556 = arith.constant 26624 : i32
        %add3A_557 = arith.addi %mul3A_402, %add3A_556 : i32
        %get3A_558 = arith.index_cast %add3A_557 : i32 to index
        %get3A_559 = tpu.vector_load %arg5[%get3A_558] {strides = array<i32>} : memref<32768xf32, #tpu.memory_space<vmem>>, vector<16xf32>,
        %get3A_560 = vector.shape_cast %get3A_559 : vector<16xf32> to vector<16xf32>
        %add3A_561 = arith.addf %add3A_555, %get3A_560 : vector<16xf32>
        %add3A_562 = arith.constant 27648 : i32
        %add3A_563 = arith.addi %mul3A_402, %add3A_562 : i32
        %get3A_564 = arith.index_cast %add3A_563 : i32 to index
        %get3A_565 = tpu.vector_load %arg5[%get3A_564] {strides = array<i32>} : memref<32768xf32, #tpu.memory_space<vmem>>, vector<16xf32>,
        %get3A_566 = vector.shape_cast %get3A_565 : vector<16xf32> to vector<16xf32>
        %add3A_567 = arith.addf %add3A_561, %get3A_566 : vector<16xf32>
        %add3A_568 = arith.constant 28672 : i32
        %add3A_569 = arith.addi %mul3A_402, %add3A_568 : i32
        %get3A_570 = arith.index_cast %add3A_569 : i32 to index
        %get3A_571 = tpu.vector_load %arg5[%get3A_570] {strides = array<i32>} : memref<32768xf32, #tpu.memory_space<vmem>>, vector<16xf32>,
        %get3A_572 = vector.shape_cast %get3A_571 : vector<16xf32> to vector<16xf32>
        %add3A_573 = arith.addf %add3A_567, %get3A_572 : vector<16xf32>
        %add3A_574 = arith.constant 29696 : i32
        %add3A_575 = arith.addi %mul3A_402, %add3A_574 : i32
        %get3A_576 = arith.index_cast %add3A_575 : i32 to index
        %get3A_577 = tpu.vector_load %arg5[%get3A_576] {strides = array<i32>} : memref<32768xf32, #tpu.memory_space<vmem>>, vector<16xf32>,
        %get3A_578 = vector.shape_cast %get3A_577 : vector<16xf32> to vector<16xf32>
        %add3A_579 = arith.addf %add3A_573, %get3A_578 : vector<16xf32>
        %add3A_580 = arith.constant 30720 : i32
        %add3A_581 = arith.addi %mul3A_402, %add3A_580 : i32
        %get3A_582 = arith.index_cast %add3A_581 : i32 to index
        %get3A_583 = tpu.vector_load %arg5[%get3A_582] {strides = array<i32>} : memref<32768xf32, #tpu.memory_space<vmem>>, vector<16xf32>,
        %get3A_584 = vector.shape_cast %get3A_583 : vector<16xf32> to vector<16xf32>
        %add3A_585 = arith.addf %add3A_579, %get3A_584 : vector<16xf32>
        %add3A_586 = arith.constant 31744 : i32
        %add3A_587 = arith.addi %mul3A_402, %add3A_586 : i32
        %get3A_588 = arith.index_cast %add3A_587 : i32 to index
        %get3A_589 = tpu.vector_load %arg5[%get3A_588] {strides = array<i32>} : memref<32768xf32, #tpu.memory_space<vmem>>, vector<16xf32>,
        %get3A_590 = vector.shape_cast %get3A_589 : vector<16xf32> to vector<16xf32>
        %add3A_591 = arith.addf %add3A_585, %get3A_590 : vector<16xf32>
        %add3A_592 = arith.constant 0 : i32
        %add3A_593 = arith.addi %add3A_592, %mul3A_402 : i32
        %get3A_594 = arith.index_cast %add3A_593 : i32 to index
        %get3A_595 = tpu.vector_load %arg7[%get3A_594] {strides = array<i32>} : memref<5136xf32, #tpu.memory_space<vmem>>, vector<16xf32>,
        %get3A_596 = vector.shape_cast %get3A_595 : vector<16xf32> to vector<16xf32>
        %mul3A_597 = arith.mulf %add3A_591, %get3A_596 : vector<16xf32>
        %add3A_598 = arith.addf %scan3A_396, %mul3A_597 : vector<16xf32>
        %add3A_599 = arith.constant 1024 : i32
        %add3A_600 = arith.addi %add3A_599, %mul3A_402 : i32
        %get3A_601 = arith.index_cast %add3A_600 : i32 to index
        %get3A_602 = tpu.vector_load %arg7[%get3A_601] {strides = array<i32>} : memref<5136xf32, #tpu.memory_space<vmem>>, vector<16xf32>,
        %get3A_603 = vector.shape_cast %get3A_602 : vector<16xf32> to vector<16xf32>
        %mul3A_604 = arith.mulf %add3A_591, %get3A_603 : vector<16xf32>
        %add3A_605 = arith.addf %scan3A_397, %mul3A_604 : vector<16xf32>
        %add3A_606 = arith.constant 2048 : i32
        %add3A_607 = arith.addi %add3A_606, %mul3A_402 : i32
        %get3A_608 = arith.index_cast %add3A_607 : i32 to index
        %get3A_609 = tpu.vector_load %arg7[%get3A_608] {strides = array<i32>} : memref<5136xf32, #tpu.memory_space<vmem>>, vector<16xf32>,
        %get3A_610 = vector.shape_cast %get3A_609 : vector<16xf32> to vector<16xf32>
        %mul3A_611 = arith.mulf %add3A_591, %get3A_610 : vector<16xf32>
        %add3A_612 = arith.addf %scan3A_398, %mul3A_611 : vector<16xf32>
        %add3A_613 = arith.constant 3072 : i32
        %add3A_614 = arith.addi %add3A_613, %mul3A_402 : i32
        %get3A_615 = arith.index_cast %add3A_614 : i32 to index
        %get3A_616 = tpu.vector_load %arg7[%get3A_615] {strides = array<i32>} : memref<5136xf32, #tpu.memory_space<vmem>>, vector<16xf32>,
        %get3A_617 = vector.shape_cast %get3A_616 : vector<16xf32> to vector<16xf32>
        %mul3A_618 = arith.mulf %add3A_591, %get3A_617 : vector<16xf32>
        %add3A_619 = arith.addf %scan3A_399, %mul3A_618 : vector<16xf32>
        %add3A_620 = arith.constant 4096 : i32
        %add3A_621 = arith.addi %add3A_620, %mul3A_402 : i32
        %get3A_622 = arith.index_cast %add3A_621 : i32 to index
        %get3A_623 = tpu.vector_load %arg7[%get3A_622] {strides = array<i32>} : memref<5136xf32, #tpu.memory_space<vmem>>, vector<16xf32>,
        %get3A_624 = vector.shape_cast %get3A_623 : vector<16xf32> to vector<16xf32>
        %mul3A_625 = arith.mulf %add3A_591, %get3A_624 : vector<16xf32>
        %add3A_626 = arith.addf %scan3A_400, %mul3A_625 : vector<16xf32>
        scf.yield %add3A_598, %add3A_605, %add3A_612, %add3A_619, %add3A_626 : vector<16xf32>, vector<16xf32>, vector<16xf32>, vector<16xf32>, vector<16xf32>
      }
      %scan3A_29 = arith.constant 64 : i32
      %iota3A = tpu.iota {dimensions = array<i32: 0>} : vector<16xi32>
      %get3A = arith.constant 5120 : index
      %get3A_30 = tpu.vector_load %arg7[%get3A] {strides = array<i32>} : memref<5136xf32, #tpu.memory_space<vmem>>, vector<16xf32>,
      %get3A_31 = vector.shape_cast %get3A_30 : vector<16xf32> to vector<16xf32>
      %eq3A = arith.constant 0 : i32
      %eq3A_32 = vector.broadcast %eq3A : i32 to vector<16xi32>
      %eq3A_33 = arith.cmpi eq, %iota3A, %eq3A_32 : vector<16xi32>
      %xor3A = arith.constant 8 : i32
      %xor3A_34 = vector.broadcast %xor3A : i32 to vector<16xi32>
      %xor3A_35 = arith.xori %iota3A, %xor3A_34 : vector<16xi32>
      %broadcast_in_dim3A_36 = vector.shape_cast %xor3A_35 : vector<16xi32> to vector<16x1xi32>
      %gather3A = vector.shape_cast %broadcast_in_dim3A_36 : vector<16x1xi32> to vector<16xi32>
      %gather3A_37 = tpu.dynamic_gather %scan3A_28#0[%gather3A] in [0] : vector<16xf32>, vector<16xi32> -> vector<16xf32>
      %add3A_38 = arith.addf %scan3A_28#0, %gather3A_37 : vector<16xf32>
      %xor3A_39 = arith.constant 4 : i32
      %xor3A_40 = vector.broadcast %xor3A_39 : i32 to vector<16xi32>
      %xor3A_41 = arith.xori %iota3A, %xor3A_40 : vector<16xi32>
      %broadcast_in_dim3A_42 = vector.shape_cast %xor3A_41 : vector<16xi32> to vector<16x1xi32>
      %gather3A_43 = vector.shape_cast %broadcast_in_dim3A_42 : vector<16x1xi32> to vector<16xi32>
      %gather3A_44 = tpu.dynamic_gather %add3A_38[%gather3A_43] in [0] : vector<16xf32>, vector<16xi32> -> vector<16xf32>
      %add3A_45 = arith.addf %add3A_38, %gather3A_44 : vector<16xf32>
      %xor3A_46 = arith.constant 2 : i32
      %xor3A_47 = vector.broadcast %xor3A_46 : i32 to vector<16xi32>
      %xor3A_48 = arith.xori %iota3A, %xor3A_47 : vector<16xi32>
      %broadcast_in_dim3A_49 = vector.shape_cast %xor3A_48 : vector<16xi32> to vector<16x1xi32>
      %gather3A_50 = vector.shape_cast %broadcast_in_dim3A_49 : vector<16x1xi32> to vector<16xi32>
      %gather3A_51 = tpu.dynamic_gather %add3A_45[%gather3A_50] in [0] : vector<16xf32>, vector<16xi32> -> vector<16xf32>
      %add3A_52 = arith.addf %add3A_45, %gather3A_51 : vector<16xf32>
      %xor3A_53 = arith.constant 1 : i32
      %xor3A_54 = vector.broadcast %xor3A_53 : i32 to vector<16xi32>
      %xor3A_55 = arith.xori %iota3A, %xor3A_54 : vector<16xi32>
      %broadcast_in_dim3A_56 = vector.shape_cast %xor3A_55 : vector<16xi32> to vector<16x1xi32>
      %gather3A_57 = vector.shape_cast %broadcast_in_dim3A_56 : vector<16x1xi32> to vector<16xi32>
      %gather3A_58 = tpu.dynamic_gather %add3A_52[%gather3A_57] in [0] : vector<16xf32>, vector<16xi32> -> vector<16xf32>
      %add3A_59 = arith.addf %add3A_52, %gather3A_58 : vector<16xf32>
      %add3A_60 = arith.addf %get3A_31, %add3A_59 : vector<16xf32>
      %select_n3A = arith.select %eq3A_33, %add3A_60, %get3A_31 : vector<16xi1>, vector<16xf32>
      %eq3A_61 = arith.constant 1 : i32
      %eq3A_62 = vector.broadcast %eq3A_61 : i32 to vector<16xi32>
      %eq3A_63 = arith.cmpi eq, %iota3A, %eq3A_62 : vector<16xi32>
      %xor3A_64 = arith.constant 8 : i32
      %xor3A_65 = vector.broadcast %xor3A_64 : i32 to vector<16xi32>
      %xor3A_66 = arith.xori %iota3A, %xor3A_65 : vector<16xi32>
      %broadcast_in_dim3A_67 = vector.shape_cast %xor3A_66 : vector<16xi32> to vector<16x1xi32>
      %gather3A_68 = vector.shape_cast %broadcast_in_dim3A_67 : vector<16x1xi32> to vector<16xi32>
      %gather3A_69 = tpu.dynamic_gather %scan3A_28#1[%gather3A_68] in [0] : vector<16xf32>, vector<16xi32> -> vector<16xf32>
      %add3A_70 = arith.addf %scan3A_28#1, %gather3A_69 : vector<16xf32>
      %xor3A_71 = arith.constant 4 : i32
      %xor3A_72 = vector.broadcast %xor3A_71 : i32 to vector<16xi32>
      %xor3A_73 = arith.xori %iota3A, %xor3A_72 : vector<16xi32>
      %broadcast_in_dim3A_74 = vector.shape_cast %xor3A_73 : vector<16xi32> to vector<16x1xi32>
      %gather3A_75 = vector.shape_cast %broadcast_in_dim3A_74 : vector<16x1xi32> to vector<16xi32>
      %gather3A_76 = tpu.dynamic_gather %add3A_70[%gather3A_75] in [0] : vector<16xf32>, vector<16xi32> -> vector<16xf32>
      %add3A_77 = arith.addf %add3A_70, %gather3A_76 : vector<16xf32>
      %xor3A_78 = arith.constant 2 : i32
      %xor3A_79 = vector.broadcast %xor3A_78 : i32 to vector<16xi32>
      %xor3A_80 = arith.xori %iota3A, %xor3A_79 : vector<16xi32>
      %broadcast_in_dim3A_81 = vector.shape_cast %xor3A_80 : vector<16xi32> to vector<16x1xi32>
      %gather3A_82 = vector.shape_cast %broadcast_in_dim3A_81 : vector<16x1xi32> to vector<16xi32>
      %gather3A_83 = tpu.dynamic_gather %add3A_77[%gather3A_82] in [0] : vector<16xf32>, vector<16xi32> -> vector<16xf32>
      %add3A_84 = arith.addf %add3A_77, %gather3A_83 : vector<16xf32>
      %xor3A_85 = arith.constant 1 : i32
      %xor3A_86 = vector.broadcast %xor3A_85 : i32 to vector<16xi32>
      %xor3A_87 = arith.xori %iota3A, %xor3A_86 : vector<16xi32>
      %broadcast_in_dim3A_88 = vector.shape_cast %xor3A_87 : vector<16xi32> to vector<16x1xi32>
      %gather3A_89 = vector.shape_cast %broadcast_in_dim3A_88 : vector<16x1xi32> to vector<16xi32>
      %gather3A_90 = tpu.dynamic_gather %add3A_84[%gather3A_89] in [0] : vector<16xf32>, vector<16xi32> -> vector<16xf32>
      %add3A_91 = arith.addf %add3A_84, %gather3A_90 : vector<16xf32>
      %add3A_92 = arith.addf %select_n3A, %add3A_91 : vector<16xf32>
      %select_n3A_93 = arith.select %eq3A_63, %add3A_92, %select_n3A : vector<16xi1>, vector<16xf32>
      %eq3A_94 = arith.constant 2 : i32
      %eq3A_95 = vector.broadcast %eq3A_94 : i32 to vector<16xi32>
      %eq3A_96 = arith.cmpi eq, %iota3A, %eq3A_95 : vector<16xi32>
      %xor3A_97 = arith.constant 8 : i32
      %xor3A_98 = vector.broadcast %xor3A_97 : i32 to vector<16xi32>
      %xor3A_99 = arith.xori %iota3A, %xor3A_98 : vector<16xi32>
      %broadcast_in_dim3A_100 = vector.shape_cast %xor3A_99 : vector<16xi32> to vector<16x1xi32>
      %gather3A_101 = vector.shape_cast %broadcast_in_dim3A_100 : vector<16x1xi32> to vector<16xi32>
      %gather3A_102 = tpu.dynamic_gather %scan3A_28#2[%gather3A_101] in [0] : vector<16xf32>, vector<16xi32> -> vector<16xf32>
      %add3A_103 = arith.addf %scan3A_28#2, %gather3A_102 : vector<16xf32>
      %xor3A_104 = arith.constant 4 : i32
      %xor3A_105 = vector.broadcast %xor3A_104 : i32 to vector<16xi32>
      %xor3A_106 = arith.xori %iota3A, %xor3A_105 : vector<16xi32>
      %broadcast_in_dim3A_107 = vector.shape_cast %xor3A_106 : vector<16xi32> to vector<16x1xi32>
      %gather3A_108 = vector.shape_cast %broadcast_in_dim3A_107 : vector<16x1xi32> to vector<16xi32>
      %gather3A_109 = tpu.dynamic_gather %add3A_103[%gather3A_108] in [0] : vector<16xf32>, vector<16xi32> -> vector<16xf32>
      %add3A_110 = arith.addf %add3A_103, %gather3A_109 : vector<16xf32>
      %xor3A_111 = arith.constant 2 : i32
      %xor3A_112 = vector.broadcast %xor3A_111 : i32 to vector<16xi32>
      %xor3A_113 = arith.xori %iota3A, %xor3A_112 : vector<16xi32>
      %broadcast_in_dim3A_114 = vector.shape_cast %xor3A_113 : vector<16xi32> to vector<16x1xi32>
      %gather3A_115 = vector.shape_cast %broadcast_in_dim3A_114 : vector<16x1xi32> to vector<16xi32>
      %gather3A_116 = tpu.dynamic_gather %add3A_110[%gather3A_115] in [0] : vector<16xf32>, vector<16xi32> -> vector<16xf32>
      %add3A_117 = arith.addf %add3A_110, %gather3A_116 : vector<16xf32>
      %xor3A_118 = arith.constant 1 : i32
      %xor3A_119 = vector.broadcast %xor3A_118 : i32 to vector<16xi32>
      %xor3A_120 = arith.xori %iota3A, %xor3A_119 : vector<16xi32>
      %broadcast_in_dim3A_121 = vector.shape_cast %xor3A_120 : vector<16xi32> to vector<16x1xi32>
      %gather3A_122 = vector.shape_cast %broadcast_in_dim3A_121 : vector<16x1xi32> to vector<16xi32>
      %gather3A_123 = tpu.dynamic_gather %add3A_117[%gather3A_122] in [0] : vector<16xf32>, vector<16xi32> -> vector<16xf32>
      %add3A_124 = arith.addf %add3A_117, %gather3A_123 : vector<16xf32>
      %add3A_125 = arith.addf %select_n3A_93, %add3A_124 : vector<16xf32>
      %select_n3A_126 = arith.select %eq3A_96, %add3A_125, %select_n3A_93 : vector<16xi1>, vector<16xf32>
      %eq3A_127 = arith.constant 3 : i32
      %eq3A_128 = vector.broadcast %eq3A_127 : i32 to vector<16xi32>
      %eq3A_129 = arith.cmpi eq, %iota3A, %eq3A_128 : vector<16xi32>
      %xor3A_130 = arith.constant 8 : i32
      %xor3A_131 = vector.broadcast %xor3A_130 : i32 to vector<16xi32>
      %xor3A_132 = arith.xori %iota3A, %xor3A_131 : vector<16xi32>
      %broadcast_in_dim3A_133 = vector.shape_cast %xor3A_132 : vector<16xi32> to vector<16x1xi32>
      %gather3A_134 = vector.shape_cast %broadcast_in_dim3A_133 : vector<16x1xi32> to vector<16xi32>
      %gather3A_135 = tpu.dynamic_gather %scan3A_28#3[%gather3A_134] in [0] : vector<16xf32>, vector<16xi32> -> vector<16xf32>
      %add3A_136 = arith.addf %scan3A_28#3, %gather3A_135 : vector<16xf32>
      %xor3A_137 = arith.constant 4 : i32
      %xor3A_138 = vector.broadcast %xor3A_137 : i32 to vector<16xi32>
      %xor3A_139 = arith.xori %iota3A, %xor3A_138 : vector<16xi32>
      %broadcast_in_dim3A_140 = vector.shape_cast %xor3A_139 : vector<16xi32> to vector<16x1xi32>
      %gather3A_141 = vector.shape_cast %broadcast_in_dim3A_140 : vector<16x1xi32> to vector<16xi32>
      %gather3A_142 = tpu.dynamic_gather %add3A_136[%gather3A_141] in [0] : vector<16xf32>, vector<16xi32> -> vector<16xf32>
      %add3A_143 = arith.addf %add3A_136, %gather3A_142 : vector<16xf32>
      %xor3A_144 = arith.constant 2 : i32
      %xor3A_145 = vector.broadcast %xor3A_144 : i32 to vector<16xi32>
      %xor3A_146 = arith.xori %iota3A, %xor3A_145 : vector<16xi32>
      %broadcast_in_dim3A_147 = vector.shape_cast %xor3A_146 : vector<16xi32> to vector<16x1xi32>
      %gather3A_148 = vector.shape_cast %broadcast_in_dim3A_147 : vector<16x1xi32> to vector<16xi32>
      %gather3A_149 = tpu.dynamic_gather %add3A_143[%gather3A_148] in [0] : vector<16xf32>, vector<16xi32> -> vector<16xf32>
      %add3A_150 = arith.addf %add3A_143, %gather3A_149 : vector<16xf32>
      %xor3A_151 = arith.constant 1 : i32
      %xor3A_152 = vector.broadcast %xor3A_151 : i32 to vector<16xi32>
      %xor3A_153 = arith.xori %iota3A, %xor3A_152 : vector<16xi32>
      %broadcast_in_dim3A_154 = vector.shape_cast %xor3A_153 : vector<16xi32> to vector<16x1xi32>
      %gather3A_155 = vector.shape_cast %broadcast_in_dim3A_154 : vector<16x1xi32> to vector<16xi32>
      %gather3A_156 = tpu.dynamic_gather %add3A_150[%gather3A_155] in [0] : vector<16xf32>, vector<16xi32> -> vector<16xf32>
      %add3A_157 = arith.addf %add3A_150, %gather3A_156 : vector<16xf32>
      %add3A_158 = arith.addf %select_n3A_126, %add3A_157 : vector<16xf32>
      %select_n3A_159 = arith.select %eq3A_129, %add3A_158, %select_n3A_126 : vector<16xi1>, vector<16xf32>
      %eq3A_160 = arith.constant 4 : i32
      %eq3A_161 = vector.broadcast %eq3A_160 : i32 to vector<16xi32>
      %eq3A_162 = arith.cmpi eq, %iota3A, %eq3A_161 : vector<16xi32>
      %xor3A_163 = arith.constant 8 : i32
      %xor3A_164 = vector.broadcast %xor3A_163 : i32 to vector<16xi32>
      %xor3A_165 = arith.xori %iota3A, %xor3A_164 : vector<16xi32>
      %broadcast_in_dim3A_166 = vector.shape_cast %xor3A_165 : vector<16xi32> to vector<16x1xi32>
      %gather3A_167 = vector.shape_cast %broadcast_in_dim3A_166 : vector<16x1xi32> to vector<16xi32>
      %gather3A_168 = tpu.dynamic_gather %scan3A_28#4[%gather3A_167] in [0] : vector<16xf32>, vector<16xi32> -> vector<16xf32>
      %add3A_169 = arith.addf %scan3A_28#4, %gather3A_168 : vector<16xf32>
      %xor3A_170 = arith.constant 4 : i32
      %xor3A_171 = vector.broadcast %xor3A_170 : i32 to vector<16xi32>
      %xor3A_172 = arith.xori %iota3A, %xor3A_171 : vector<16xi32>
      %broadcast_in_dim3A_173 = vector.shape_cast %xor3A_172 : vector<16xi32> to vector<16x1xi32>
      %gather3A_174 = vector.shape_cast %broadcast_in_dim3A_173 : vector<16x1xi32> to vector<16xi32>
      %gather3A_175 = tpu.dynamic_gather %add3A_169[%gather3A_174] in [0] : vector<16xf32>, vector<16xi32> -> vector<16xf32>
      %add3A_176 = arith.addf %add3A_169, %gather3A_175 : vector<16xf32>
      %xor3A_177 = arith.constant 2 : i32
      %xor3A_178 = vector.broadcast %xor3A_177 : i32 to vector<16xi32>
      %xor3A_179 = arith.xori %iota3A, %xor3A_178 : vector<16xi32>
      %broadcast_in_dim3A_180 = vector.shape_cast %xor3A_179 : vector<16xi32> to vector<16x1xi32>
      %gather3A_181 = vector.shape_cast %broadcast_in_dim3A_180 : vector<16x1xi32> to vector<16xi32>
      %gather3A_182 = tpu.dynamic_gather %add3A_176[%gather3A_181] in [0] : vector<16xf32>, vector<16xi32> -> vector<16xf32>
      %add3A_183 = arith.addf %add3A_176, %gather3A_182 : vector<16xf32>
      %xor3A_184 = arith.constant 1 : i32
      %xor3A_185 = vector.broadcast %xor3A_184 : i32 to vector<16xi32>
      %xor3A_186 = arith.xori %iota3A, %xor3A_185 : vector<16xi32>
      %broadcast_in_dim3A_187 = vector.shape_cast %xor3A_186 : vector<16xi32> to vector<16x1xi32>
      %gather3A_188 = vector.shape_cast %broadcast_in_dim3A_187 : vector<16x1xi32> to vector<16xi32>
      %gather3A_189 = tpu.dynamic_gather %add3A_183[%gather3A_188] in [0] : vector<16xf32>, vector<16xi32> -> vector<16xf32>
      %add3A_190 = arith.addf %add3A_183, %gather3A_189 : vector<16xf32>
      %add3A_191 = arith.addf %select_n3A_159, %add3A_190 : vector<16xf32>
      %select_n3A_192 = arith.select %eq3A_162, %add3A_191, %select_n3A_159 : vector<16xi1>, vector<16xf32>
      %swap3A = arith.index_cast %mul3A_21 : i32 to index
      %swap3A_193 = arith.constant 0 : index
      %swap3A_194 = tpu.vector_load %arg8[%swap3A, %swap3A_193] {strides = array<i32>} : memref<24x16xf32, #tpu.memory_space<vmem>>, vector<1x16xf32>,
      %swap3A_195 = vector.shape_cast %swap3A_194 : vector<1x16xf32> to vector<16xf32>
      %swap3A_196 = vector.shape_cast %select_n3A_192 : vector<16xf32> to vector<1x16xf32>
      tpu.vector_store %arg8[%swap3A, %swap3A_193], %swap3A_196 {strides = array<i32>} : memref<24x16xf32, #tpu.memory_space<vmem>>, vector<1x16xf32>,
      %add3A_197 = arith.constant 2 : i32
      %add3A_198 = arith.addi %mul3A_21, %add3A_197 : i32
      %lt3A = arith.constant 24 : i32
      %lt3A_199 = arith.cmpi slt, %add3A_198, %lt3A : i32
      %convert_element_type3A = arith.extui %lt3A_199 : i1 to i32
      %cond3A = arith.constant 0 : i32
      %cond3A_200 = arith.cmpi ne, %convert_element_type3A, %cond3A : i32
      scf.if %cond3A_200 {
        %add3A_395 = arith.constant 2 : i32
        %add3A_396 = arith.addi %mul3A_21, %add3A_395 : i32
        %mul3A_397 = arith.constant 32768 : i32
        %mul3A_398 = arith.muli %add3A_396, %mul3A_397 : i32
        %add3A_399 = arith.addi %mul3A_6, %mul3A_398 : i32
        %dma_start3A_400 = tpu.memref_slice %arg2[%add3A_399] : memref<67108864xf32, #tpu.memory_space<hbm>> -> memref<32768xf32, #tpu.memory_space<hbm>>
        %dma_start3A_401 = tpu.memref_slice %arg2[%add3A_399] : memref<67108864xf32, #tpu.memory_space<hbm>> -> memref<32768xf32, #tpu.memory_space<hbm>>
        tpu.enqueue_dma source(%dma_start3A_401 : memref<32768xf32, #tpu.memory_space<hbm>>) target(%arg5 : memref<32768xf32, #tpu.memory_space<vmem>>) target_semaphore(%arg9 : memref<!tpu.dma_semaphore, #tpu.memory_space<semaphore_mem>>)
      } else {
      }
      %add3A_201 = arith.constant 1 : i32
      %add3A_202 = arith.addi %mul3A_21, %add3A_201 : i32
      %dma_wait3A_203 = tpu.memref_slice %arg2[%mul3A_6] : memref<67108864xf32, #tpu.memory_space<hbm>> -> memref<32768xf32, #tpu.memory_space<hbm>>
      %dma_wait3A_204 = tpu.memref_slice %arg2[%mul3A_6] : memref<67108864xf32, #tpu.memory_space<hbm>> -> memref<32768xf32, #tpu.memory_space<hbm>>
      tpu.wait_dma2 semaphore(%arg10 : memref<!tpu.dma_semaphore, #tpu.memory_space<semaphore_mem>>) src(%dma_wait3A_204 : memref<32768xf32, #tpu.memory_space<hbm>>) dst(%arg6 : memref<32768xf32, #tpu.memory_space<vmem>>)
      %broadcast_in_dim3A_205 = arith.constant 0.000000e+00 : f32
      %broadcast_in_dim3A_206 = vector.broadcast %broadcast_in_dim3A_205 : f32 to vector<16xf32>
      %scan3A_207 = arith.constant 0 : i32
      %scan3A_208 = arith.constant 64 : i32
      %scan3A_209 = arith.addi %scan3A_207, %scan3A_208 : i32
      %scan3A_210 = arith.constant 1 : i32
      %scan3A_211:5 = scf.for %scan3A_395 = %scan3A_207 to %scan3A_209 step %scan3A_210 iter_args(%scan3A_396 = %broadcast_in_dim3A_206, %scan3A_397 = %broadcast_in_dim3A_206, %scan3A_398 = %broadcast_in_dim3A_206, %scan3A_399 = %broadcast_in_dim3A_206, %scan3A_400 = %broadcast_in_dim3A_206) -> (vector<16xf32>, vector<16xf32>, vector<16xf32>, vector<16xf32>, vector<16xf32>)  : i32 {
        %mul3A_401 = arith.constant 16 : i32
        %mul3A_402 = arith.muli %scan3A_395, %mul3A_401 : i32
        %get3A_403 = arith.index_cast %mul3A_402 : i32 to index
        %get3A_404 = tpu.vector_load %arg6[%get3A_403] {strides = array<i32>} : memref<32768xf32, #tpu.memory_space<vmem>>, vector<16xf32>,
        %get3A_405 = vector.shape_cast %get3A_404 : vector<16xf32> to vector<16xf32>
        %add3A_406 = arith.constant 1024 : i32
        %add3A_407 = arith.addi %mul3A_402, %add3A_406 : i32
        %get3A_408 = arith.index_cast %add3A_407 : i32 to index
        %get3A_409 = tpu.vector_load %arg6[%get3A_408] {strides = array<i32>} : memref<32768xf32, #tpu.memory_space<vmem>>, vector<16xf32>,
        %get3A_410 = vector.shape_cast %get3A_409 : vector<16xf32> to vector<16xf32>
        %add3A_411 = arith.addf %get3A_405, %get3A_410 : vector<16xf32>
        %add3A_412 = arith.constant 2048 : i32
        %add3A_413 = arith.addi %mul3A_402, %add3A_412 : i32
        %get3A_414 = arith.index_cast %add3A_413 : i32 to index
        %get3A_415 = tpu.vector_load %arg6[%get3A_414] {strides = array<i32>} : memref<32768xf32, #tpu.memory_space<vmem>>, vector<16xf32>,
        %get3A_416 = vector.shape_cast %get3A_415 : vector<16xf32> to vector<16xf32>
        %add3A_417 = arith.addf %add3A_411, %get3A_416 : vector<16xf32>
        %add3A_418 = arith.constant 3072 : i32
        %add3A_419 = arith.addi %mul3A_402, %add3A_418 : i32
        %get3A_420 = arith.index_cast %add3A_419 : i32 to index
        %get3A_421 = tpu.vector_load %arg6[%get3A_420] {strides = array<i32>} : memref<32768xf32, #tpu.memory_space<vmem>>, vector<16xf32>,
        %get3A_422 = vector.shape_cast %get3A_421 : vector<16xf32> to vector<16xf32>
        %add3A_423 = arith.addf %add3A_417, %get3A_422 : vector<16xf32>
        %add3A_424 = arith.constant 4096 : i32
        %add3A_425 = arith.addi %mul3A_402, %add3A_424 : i32
        %get3A_426 = arith.index_cast %add3A_425 : i32 to index
        %get3A_427 = tpu.vector_load %arg6[%get3A_426] {strides = array<i32>} : memref<32768xf32, #tpu.memory_space<vmem>>, vector<16xf32>,
        %get3A_428 = vector.shape_cast %get3A_427 : vector<16xf32> to vector<16xf32>
        %add3A_429 = arith.addf %add3A_423, %get3A_428 : vector<16xf32>
        %add3A_430 = arith.constant 5120 : i32
        %add3A_431 = arith.addi %mul3A_402, %add3A_430 : i32
        %get3A_432 = arith.index_cast %add3A_431 : i32 to index
        %get3A_433 = tpu.vector_load %arg6[%get3A_432] {strides = array<i32>} : memref<32768xf32, #tpu.memory_space<vmem>>, vector<16xf32>,
        %get3A_434 = vector.shape_cast %get3A_433 : vector<16xf32> to vector<16xf32>
        %add3A_435 = arith.addf %add3A_429, %get3A_434 : vector<16xf32>
        %add3A_436 = arith.constant 6144 : i32
        %add3A_437 = arith.addi %mul3A_402, %add3A_436 : i32
        %get3A_438 = arith.index_cast %add3A_437 : i32 to index
        %get3A_439 = tpu.vector_load %arg6[%get3A_438] {strides = array<i32>} : memref<32768xf32, #tpu.memory_space<vmem>>, vector<16xf32>,
        %get3A_440 = vector.shape_cast %get3A_439 : vector<16xf32> to vector<16xf32>
        %add3A_441 = arith.addf %add3A_435, %get3A_440 : vector<16xf32>
        %add3A_442 = arith.constant 7168 : i32
        %add3A_443 = arith.addi %mul3A_402, %add3A_442 : i32
        %get3A_444 = arith.index_cast %add3A_443 : i32 to index
        %get3A_445 = tpu.vector_load %arg6[%get3A_444] {strides = array<i32>} : memref<32768xf32, #tpu.memory_space<vmem>>, vector<16xf32>,
        %get3A_446 = vector.shape_cast %get3A_445 : vector<16xf32> to vector<16xf32>
        %add3A_447 = arith.addf %add3A_441, %get3A_446 : vector<16xf32>
        %add3A_448 = arith.constant 8192 : i32
        %add3A_449 = arith.addi %mul3A_402, %add3A_448 : i32
        %get3A_450 = arith.index_cast %add3A_449 : i32 to index
        %get3A_451 = tpu.vector_load %arg6[%get3A_450] {strides = array<i32>} : memref<32768xf32, #tpu.memory_space<vmem>>, vector<16xf32>,
        %get3A_452 = vector.shape_cast %get3A_451 : vector<16xf32> to vector<16xf32>
        %add3A_453 = arith.addf %add3A_447, %get3A_452 : vector<16xf32>
        %add3A_454 = arith.constant 9216 : i32
        %add3A_455 = arith.addi %mul3A_402, %add3A_454 : i32
        %get3A_456 = arith.index_cast %add3A_455 : i32 to index
        %get3A_457 = tpu.vector_load %arg6[%get3A_456] {strides = array<i32>} : memref<32768xf32, #tpu.memory_space<vmem>>, vector<16xf32>,
        %get3A_458 = vector.shape_cast %get3A_457 : vector<16xf32> to vector<16xf32>
        %add3A_459 = arith.addf %add3A_453, %get3A_458 : vector<16xf32>
        %add3A_460 = arith.constant 10240 : i32
        %add3A_461 = arith.addi %mul3A_402, %add3A_460 : i32
        %get3A_462 = arith.index_cast %add3A_461 : i32 to index
        %get3A_463 = tpu.vector_load %arg6[%get3A_462] {strides = array<i32>} : memref<32768xf32, #tpu.memory_space<vmem>>, vector<16xf32>,
        %get3A_464 = vector.shape_cast %get3A_463 : vector<16xf32> to vector<16xf32>
        %add3A_465 = arith.addf %add3A_459, %get3A_464 : vector<16xf32>
        %add3A_466 = arith.constant 11264 : i32
        %add3A_467 = arith.addi %mul3A_402, %add3A_466 : i32
        %get3A_468 = arith.index_cast %add3A_467 : i32 to index
        %get3A_469 = tpu.vector_load %arg6[%get3A_468] {strides = array<i32>} : memref<32768xf32, #tpu.memory_space<vmem>>, vector<16xf32>,
        %get3A_470 = vector.shape_cast %get3A_469 : vector<16xf32> to vector<16xf32>
        %add3A_471 = arith.addf %add3A_465, %get3A_470 : vector<16xf32>
        %add3A_472 = arith.constant 12288 : i32
        %add3A_473 = arith.addi %mul3A_402, %add3A_472 : i32
        %get3A_474 = arith.index_cast %add3A_473 : i32 to index
        %get3A_475 = tpu.vector_load %arg6[%get3A_474] {strides = array<i32>} : memref<32768xf32, #tpu.memory_space<vmem>>, vector<16xf32>,
        %get3A_476 = vector.shape_cast %get3A_475 : vector<16xf32> to vector<16xf32>
        %add3A_477 = arith.addf %add3A_471, %get3A_476 : vector<16xf32>
        %add3A_478 = arith.constant 13312 : i32
        %add3A_479 = arith.addi %mul3A_402, %add3A_478 : i32
        %get3A_480 = arith.index_cast %add3A_479 : i32 to index
        %get3A_481 = tpu.vector_load %arg6[%get3A_480] {strides = array<i32>} : memref<32768xf32, #tpu.memory_space<vmem>>, vector<16xf32>,
        %get3A_482 = vector.shape_cast %get3A_481 : vector<16xf32> to vector<16xf32>
        %add3A_483 = arith.addf %add3A_477, %get3A_482 : vector<16xf32>
        %add3A_484 = arith.constant 14336 : i32
        %add3A_485 = arith.addi %mul3A_402, %add3A_484 : i32
        %get3A_486 = arith.index_cast %add3A_485 : i32 to index
        %get3A_487 = tpu.vector_load %arg6[%get3A_486] {strides = array<i32>} : memref<32768xf32, #tpu.memory_space<vmem>>, vector<16xf32>,
        %get3A_488 = vector.shape_cast %get3A_487 : vector<16xf32> to vector<16xf32>
        %add3A_489 = arith.addf %add3A_483, %get3A_488 : vector<16xf32>
        %add3A_490 = arith.constant 15360 : i32
        %add3A_491 = arith.addi %mul3A_402, %add3A_490 : i32
        %get3A_492 = arith.index_cast %add3A_491 : i32 to index
        %get3A_493 = tpu.vector_load %arg6[%get3A_492] {strides = array<i32>} : memref<32768xf32, #tpu.memory_space<vmem>>, vector<16xf32>,
        %get3A_494 = vector.shape_cast %get3A_493 : vector<16xf32> to vector<16xf32>
        %add3A_495 = arith.addf %add3A_489, %get3A_494 : vector<16xf32>
        %add3A_496 = arith.constant 16384 : i32
        %add3A_497 = arith.addi %mul3A_402, %add3A_496 : i32
        %get3A_498 = arith.index_cast %add3A_497 : i32 to index
        %get3A_499 = tpu.vector_load %arg6[%get3A_498] {strides = array<i32>} : memref<32768xf32, #tpu.memory_space<vmem>>, vector<16xf32>,
        %get3A_500 = vector.shape_cast %get3A_499 : vector<16xf32> to vector<16xf32>
        %add3A_501 = arith.addf %add3A_495, %get3A_500 : vector<16xf32>
        %add3A_502 = arith.constant 17408 : i32
        %add3A_503 = arith.addi %mul3A_402, %add3A_502 : i32
        %get3A_504 = arith.index_cast %add3A_503 : i32 to index
        %get3A_505 = tpu.vector_load %arg6[%get3A_504] {strides = array<i32>} : memref<32768xf32, #tpu.memory_space<vmem>>, vector<16xf32>,
        %get3A_506 = vector.shape_cast %get3A_505 : vector<16xf32> to vector<16xf32>
        %add3A_507 = arith.addf %add3A_501, %get3A_506 : vector<16xf32>
        %add3A_508 = arith.constant 18432 : i32
        %add3A_509 = arith.addi %mul3A_402, %add3A_508 : i32
        %get3A_510 = arith.index_cast %add3A_509 : i32 to index
        %get3A_511 = tpu.vector_load %arg6[%get3A_510] {strides = array<i32>} : memref<32768xf32, #tpu.memory_space<vmem>>, vector<16xf32>,
        %get3A_512 = vector.shape_cast %get3A_511 : vector<16xf32> to vector<16xf32>
        %add3A_513 = arith.addf %add3A_507, %get3A_512 : vector<16xf32>
        %add3A_514 = arith.constant 19456 : i32
        %add3A_515 = arith.addi %mul3A_402, %add3A_514 : i32
        %get3A_516 = arith.index_cast %add3A_515 : i32 to index
        %get3A_517 = tpu.vector_load %arg6[%get3A_516] {strides = array<i32>} : memref<32768xf32, #tpu.memory_space<vmem>>, vector<16xf32>,
        %get3A_518 = vector.shape_cast %get3A_517 : vector<16xf32> to vector<16xf32>
        %add3A_519 = arith.addf %add3A_513, %get3A_518 : vector<16xf32>
        %add3A_520 = arith.constant 20480 : i32
        %add3A_521 = arith.addi %mul3A_402, %add3A_520 : i32
        %get3A_522 = arith.index_cast %add3A_521 : i32 to index
        %get3A_523 = tpu.vector_load %arg6[%get3A_522] {strides = array<i32>} : memref<32768xf32, #tpu.memory_space<vmem>>, vector<16xf32>,
        %get3A_524 = vector.shape_cast %get3A_523 : vector<16xf32> to vector<16xf32>
        %add3A_525 = arith.addf %add3A_519, %get3A_524 : vector<16xf32>
        %add3A_526 = arith.constant 21504 : i32
        %add3A_527 = arith.addi %mul3A_402, %add3A_526 : i32
        %get3A_528 = arith.index_cast %add3A_527 : i32 to index
        %get3A_529 = tpu.vector_load %arg6[%get3A_528] {strides = array<i32>} : memref<32768xf32, #tpu.memory_space<vmem>>, vector<16xf32>,
        %get3A_530 = vector.shape_cast %get3A_529 : vector<16xf32> to vector<16xf32>
        %add3A_531 = arith.addf %add3A_525, %get3A_530 : vector<16xf32>
        %add3A_532 = arith.constant 22528 : i32
        %add3A_533 = arith.addi %mul3A_402, %add3A_532 : i32
        %get3A_534 = arith.index_cast %add3A_533 : i32 to index
        %get3A_535 = tpu.vector_load %arg6[%get3A_534] {strides = array<i32>} : memref<32768xf32, #tpu.memory_space<vmem>>, vector<16xf32>,
        %get3A_536 = vector.shape_cast %get3A_535 : vector<16xf32> to vector<16xf32>
        %add3A_537 = arith.addf %add3A_531, %get3A_536 : vector<16xf32>
        %add3A_538 = arith.constant 23552 : i32
        %add3A_539 = arith.addi %mul3A_402, %add3A_538 : i32
        %get3A_540 = arith.index_cast %add3A_539 : i32 to index
        %get3A_541 = tpu.vector_load %arg6[%get3A_540] {strides = array<i32>} : memref<32768xf32, #tpu.memory_space<vmem>>, vector<16xf32>,
        %get3A_542 = vector.shape_cast %get3A_541 : vector<16xf32> to vector<16xf32>
        %add3A_543 = arith.addf %add3A_537, %get3A_542 : vector<16xf32>
        %add3A_544 = arith.constant 24576 : i32
        %add3A_545 = arith.addi %mul3A_402, %add3A_544 : i32
        %get3A_546 = arith.index_cast %add3A_545 : i32 to index
        %get3A_547 = tpu.vector_load %arg6[%get3A_546] {strides = array<i32>} : memref<32768xf32, #tpu.memory_space<vmem>>, vector<16xf32>,
        %get3A_548 = vector.shape_cast %get3A_547 : vector<16xf32> to vector<16xf32>
        %add3A_549 = arith.addf %add3A_543, %get3A_548 : vector<16xf32>
        %add3A_550 = arith.constant 25600 : i32
        %add3A_551 = arith.addi %mul3A_402, %add3A_550 : i32
        %get3A_552 = arith.index_cast %add3A_551 : i32 to index
        %get3A_553 = tpu.vector_load %arg6[%get3A_552] {strides = array<i32>} : memref<32768xf32, #tpu.memory_space<vmem>>, vector<16xf32>,
        %get3A_554 = vector.shape_cast %get3A_553 : vector<16xf32> to vector<16xf32>
        %add3A_555 = arith.addf %add3A_549, %get3A_554 : vector<16xf32>
        %add3A_556 = arith.constant 26624 : i32
        %add3A_557 = arith.addi %mul3A_402, %add3A_556 : i32
        %get3A_558 = arith.index_cast %add3A_557 : i32 to index
        %get3A_559 = tpu.vector_load %arg6[%get3A_558] {strides = array<i32>} : memref<32768xf32, #tpu.memory_space<vmem>>, vector<16xf32>,
        %get3A_560 = vector.shape_cast %get3A_559 : vector<16xf32> to vector<16xf32>
        %add3A_561 = arith.addf %add3A_555, %get3A_560 : vector<16xf32>
        %add3A_562 = arith.constant 27648 : i32
        %add3A_563 = arith.addi %mul3A_402, %add3A_562 : i32
        %get3A_564 = arith.index_cast %add3A_563 : i32 to index
        %get3A_565 = tpu.vector_load %arg6[%get3A_564] {strides = array<i32>} : memref<32768xf32, #tpu.memory_space<vmem>>, vector<16xf32>,
        %get3A_566 = vector.shape_cast %get3A_565 : vector<16xf32> to vector<16xf32>
        %add3A_567 = arith.addf %add3A_561, %get3A_566 : vector<16xf32>
        %add3A_568 = arith.constant 28672 : i32
        %add3A_569 = arith.addi %mul3A_402, %add3A_568 : i32
        %get3A_570 = arith.index_cast %add3A_569 : i32 to index
        %get3A_571 = tpu.vector_load %arg6[%get3A_570] {strides = array<i32>} : memref<32768xf32, #tpu.memory_space<vmem>>, vector<16xf32>,
        %get3A_572 = vector.shape_cast %get3A_571 : vector<16xf32> to vector<16xf32>
        %add3A_573 = arith.addf %add3A_567, %get3A_572 : vector<16xf32>
        %add3A_574 = arith.constant 29696 : i32
        %add3A_575 = arith.addi %mul3A_402, %add3A_574 : i32
        %get3A_576 = arith.index_cast %add3A_575 : i32 to index
        %get3A_577 = tpu.vector_load %arg6[%get3A_576] {strides = array<i32>} : memref<32768xf32, #tpu.memory_space<vmem>>, vector<16xf32>,
        %get3A_578 = vector.shape_cast %get3A_577 : vector<16xf32> to vector<16xf32>
        %add3A_579 = arith.addf %add3A_573, %get3A_578 : vector<16xf32>
        %add3A_580 = arith.constant 30720 : i32
        %add3A_581 = arith.addi %mul3A_402, %add3A_580 : i32
        %get3A_582 = arith.index_cast %add3A_581 : i32 to index
        %get3A_583 = tpu.vector_load %arg6[%get3A_582] {strides = array<i32>} : memref<32768xf32, #tpu.memory_space<vmem>>, vector<16xf32>,
        %get3A_584 = vector.shape_cast %get3A_583 : vector<16xf32> to vector<16xf32>
        %add3A_585 = arith.addf %add3A_579, %get3A_584 : vector<16xf32>
        %add3A_586 = arith.constant 31744 : i32
        %add3A_587 = arith.addi %mul3A_402, %add3A_586 : i32
        %get3A_588 = arith.index_cast %add3A_587 : i32 to index
        %get3A_589 = tpu.vector_load %arg6[%get3A_588] {strides = array<i32>} : memref<32768xf32, #tpu.memory_space<vmem>>, vector<16xf32>,
        %get3A_590 = vector.shape_cast %get3A_589 : vector<16xf32> to vector<16xf32>
        %add3A_591 = arith.addf %add3A_585, %get3A_590 : vector<16xf32>
        %add3A_592 = arith.constant 0 : i32
        %add3A_593 = arith.addi %add3A_592, %mul3A_402 : i32
        %get3A_594 = arith.index_cast %add3A_593 : i32 to index
        %get3A_595 = tpu.vector_load %arg7[%get3A_594] {strides = array<i32>} : memref<5136xf32, #tpu.memory_space<vmem>>, vector<16xf32>,
        %get3A_596 = vector.shape_cast %get3A_595 : vector<16xf32> to vector<16xf32>
        %mul3A_597 = arith.mulf %add3A_591, %get3A_596 : vector<16xf32>
        %add3A_598 = arith.addf %scan3A_396, %mul3A_597 : vector<16xf32>
        %add3A_599 = arith.constant 1024 : i32
        %add3A_600 = arith.addi %add3A_599, %mul3A_402 : i32
        %get3A_601 = arith.index_cast %add3A_600 : i32 to index
        %get3A_602 = tpu.vector_load %arg7[%get3A_601] {strides = array<i32>} : memref<5136xf32, #tpu.memory_space<vmem>>, vector<16xf32>,
        %get3A_603 = vector.shape_cast %get3A_602 : vector<16xf32> to vector<16xf32>
        %mul3A_604 = arith.mulf %add3A_591, %get3A_603 : vector<16xf32>
        %add3A_605 = arith.addf %scan3A_397, %mul3A_604 : vector<16xf32>
        %add3A_606 = arith.constant 2048 : i32
        %add3A_607 = arith.addi %add3A_606, %mul3A_402 : i32
        %get3A_608 = arith.index_cast %add3A_607 : i32 to index
        %get3A_609 = tpu.vector_load %arg7[%get3A_608] {strides = array<i32>} : memref<5136xf32, #tpu.memory_space<vmem>>, vector<16xf32>,
        %get3A_610 = vector.shape_cast %get3A_609 : vector<16xf32> to vector<16xf32>
        %mul3A_611 = arith.mulf %add3A_591, %get3A_610 : vector<16xf32>
        %add3A_612 = arith.addf %scan3A_398, %mul3A_611 : vector<16xf32>
        %add3A_613 = arith.constant 3072 : i32
        %add3A_614 = arith.addi %add3A_613, %mul3A_402 : i32
        %get3A_615 = arith.index_cast %add3A_614 : i32 to index
        %get3A_616 = tpu.vector_load %arg7[%get3A_615] {strides = array<i32>} : memref<5136xf32, #tpu.memory_space<vmem>>, vector<16xf32>,
        %get3A_617 = vector.shape_cast %get3A_616 : vector<16xf32> to vector<16xf32>
        %mul3A_618 = arith.mulf %add3A_591, %get3A_617 : vector<16xf32>
        %add3A_619 = arith.addf %scan3A_399, %mul3A_618 : vector<16xf32>
        %add3A_620 = arith.constant 4096 : i32
        %add3A_621 = arith.addi %add3A_620, %mul3A_402 : i32
        %get3A_622 = arith.index_cast %add3A_621 : i32 to index
        %get3A_623 = tpu.vector_load %arg7[%get3A_622] {strides = array<i32>} : memref<5136xf32, #tpu.memory_space<vmem>>, vector<16xf32>,
        %get3A_624 = vector.shape_cast %get3A_623 : vector<16xf32> to vector<16xf32>
        %mul3A_625 = arith.mulf %add3A_591, %get3A_624 : vector<16xf32>
        %add3A_626 = arith.addf %scan3A_400, %mul3A_625 : vector<16xf32>
        scf.yield %add3A_598, %add3A_605, %add3A_612, %add3A_619, %add3A_626 : vector<16xf32>, vector<16xf32>, vector<16xf32>, vector<16xf32>, vector<16xf32>
      }
      %scan3A_212 = arith.constant 64 : i32
      %iota3A_213 = tpu.iota {dimensions = array<i32: 0>} : vector<16xi32>
      %get3A_214 = arith.constant 5120 : index
      %get3A_215 = tpu.vector_load %arg7[%get3A_214] {strides = array<i32>} : memref<5136xf32, #tpu.memory_space<vmem>>, vector<16xf32>,
      %get3A_216 = vector.shape_cast %get3A_215 : vector<16xf32> to vector<16xf32>
      %eq3A_217 = arith.constant 0 : i32
      %eq3A_218 = vector.broadcast %eq3A_217 : i32 to vector<16xi32>
      %eq3A_219 = arith.cmpi eq, %iota3A_213, %eq3A_218 : vector<16xi32>
      %xor3A_220 = arith.constant 8 : i32
      %xor3A_221 = vector.broadcast %xor3A_220 : i32 to vector<16xi32>
      %xor3A_222 = arith.xori %iota3A_213, %xor3A_221 : vector<16xi32>
      %broadcast_in_dim3A_223 = vector.shape_cast %xor3A_222 : vector<16xi32> to vector<16x1xi32>
      %gather3A_224 = vector.shape_cast %broadcast_in_dim3A_223 : vector<16x1xi32> to vector<16xi32>
      %gather3A_225 = tpu.dynamic_gather %scan3A_211#0[%gather3A_224] in [0] : vector<16xf32>, vector<16xi32> -> vector<16xf32>
      %add3A_226 = arith.addf %scan3A_211#0, %gather3A_225 : vector<16xf32>
      %xor3A_227 = arith.constant 4 : i32
      %xor3A_228 = vector.broadcast %xor3A_227 : i32 to vector<16xi32>
      %xor3A_229 = arith.xori %iota3A_213, %xor3A_228 : vector<16xi32>
      %broadcast_in_dim3A_230 = vector.shape_cast %xor3A_229 : vector<16xi32> to vector<16x1xi32>
      %gather3A_231 = vector.shape_cast %broadcast_in_dim3A_230 : vector<16x1xi32> to vector<16xi32>
      %gather3A_232 = tpu.dynamic_gather %add3A_226[%gather3A_231] in [0] : vector<16xf32>, vector<16xi32> -> vector<16xf32>
      %add3A_233 = arith.addf %add3A_226, %gather3A_232 : vector<16xf32>
      %xor3A_234 = arith.constant 2 : i32
      %xor3A_235 = vector.broadcast %xor3A_234 : i32 to vector<16xi32>
      %xor3A_236 = arith.xori %iota3A_213, %xor3A_235 : vector<16xi32>
      %broadcast_in_dim3A_237 = vector.shape_cast %xor3A_236 : vector<16xi32> to vector<16x1xi32>
      %gather3A_238 = vector.shape_cast %broadcast_in_dim3A_237 : vector<16x1xi32> to vector<16xi32>
      %gather3A_239 = tpu.dynamic_gather %add3A_233[%gather3A_238] in [0] : vector<16xf32>, vector<16xi32> -> vector<16xf32>
      %add3A_240 = arith.addf %add3A_233, %gather3A_239 : vector<16xf32>
      %xor3A_241 = arith.constant 1 : i32
      %xor3A_242 = vector.broadcast %xor3A_241 : i32 to vector<16xi32>
      %xor3A_243 = arith.xori %iota3A_213, %xor3A_242 : vector<16xi32>
      %broadcast_in_dim3A_244 = vector.shape_cast %xor3A_243 : vector<16xi32> to vector<16x1xi32>
      %gather3A_245 = vector.shape_cast %broadcast_in_dim3A_244 : vector<16x1xi32> to vector<16xi32>
      %gather3A_246 = tpu.dynamic_gather %add3A_240[%gather3A_245] in [0] : vector<16xf32>, vector<16xi32> -> vector<16xf32>
      %add3A_247 = arith.addf %add3A_240, %gather3A_246 : vector<16xf32>
      %add3A_248 = arith.addf %get3A_216, %add3A_247 : vector<16xf32>
      %select_n3A_249 = arith.select %eq3A_219, %add3A_248, %get3A_216 : vector<16xi1>, vector<16xf32>
      %eq3A_250 = arith.constant 1 : i32
      %eq3A_251 = vector.broadcast %eq3A_250 : i32 to vector<16xi32>
      %eq3A_252 = arith.cmpi eq, %iota3A_213, %eq3A_251 : vector<16xi32>
      %xor3A_253 = arith.constant 8 : i32
      %xor3A_254 = vector.broadcast %xor3A_253 : i32 to vector<16xi32>
      %xor3A_255 = arith.xori %iota3A_213, %xor3A_254 : vector<16xi32>
      %broadcast_in_dim3A_256 = vector.shape_cast %xor3A_255 : vector<16xi32> to vector<16x1xi32>
      %gather3A_257 = vector.shape_cast %broadcast_in_dim3A_256 : vector<16x1xi32> to vector<16xi32>
      %gather3A_258 = tpu.dynamic_gather %scan3A_211#1[%gather3A_257] in [0] : vector<16xf32>, vector<16xi32> -> vector<16xf32>
      %add3A_259 = arith.addf %scan3A_211#1, %gather3A_258 : vector<16xf32>
      %xor3A_260 = arith.constant 4 : i32
      %xor3A_261 = vector.broadcast %xor3A_260 : i32 to vector<16xi32>
      %xor3A_262 = arith.xori %iota3A_213, %xor3A_261 : vector<16xi32>
      %broadcast_in_dim3A_263 = vector.shape_cast %xor3A_262 : vector<16xi32> to vector<16x1xi32>
      %gather3A_264 = vector.shape_cast %broadcast_in_dim3A_263 : vector<16x1xi32> to vector<16xi32>
      %gather3A_265 = tpu.dynamic_gather %add3A_259[%gather3A_264] in [0] : vector<16xf32>, vector<16xi32> -> vector<16xf32>
      %add3A_266 = arith.addf %add3A_259, %gather3A_265 : vector<16xf32>
      %xor3A_267 = arith.constant 2 : i32
      %xor3A_268 = vector.broadcast %xor3A_267 : i32 to vector<16xi32>
      %xor3A_269 = arith.xori %iota3A_213, %xor3A_268 : vector<16xi32>
      %broadcast_in_dim3A_270 = vector.shape_cast %xor3A_269 : vector<16xi32> to vector<16x1xi32>
      %gather3A_271 = vector.shape_cast %broadcast_in_dim3A_270 : vector<16x1xi32> to vector<16xi32>
      %gather3A_272 = tpu.dynamic_gather %add3A_266[%gather3A_271] in [0] : vector<16xf32>, vector<16xi32> -> vector<16xf32>
      %add3A_273 = arith.addf %add3A_266, %gather3A_272 : vector<16xf32>
      %xor3A_274 = arith.constant 1 : i32
      %xor3A_275 = vector.broadcast %xor3A_274 : i32 to vector<16xi32>
      %xor3A_276 = arith.xori %iota3A_213, %xor3A_275 : vector<16xi32>
      %broadcast_in_dim3A_277 = vector.shape_cast %xor3A_276 : vector<16xi32> to vector<16x1xi32>
      %gather3A_278 = vector.shape_cast %broadcast_in_dim3A_277 : vector<16x1xi32> to vector<16xi32>
      %gather3A_279 = tpu.dynamic_gather %add3A_273[%gather3A_278] in [0] : vector<16xf32>, vector<16xi32> -> vector<16xf32>
      %add3A_280 = arith.addf %add3A_273, %gather3A_279 : vector<16xf32>
      %add3A_281 = arith.addf %select_n3A_249, %add3A_280 : vector<16xf32>
      %select_n3A_282 = arith.select %eq3A_252, %add3A_281, %select_n3A_249 : vector<16xi1>, vector<16xf32>
      %eq3A_283 = arith.constant 2 : i32
      %eq3A_284 = vector.broadcast %eq3A_283 : i32 to vector<16xi32>
      %eq3A_285 = arith.cmpi eq, %iota3A_213, %eq3A_284 : vector<16xi32>
      %xor3A_286 = arith.constant 8 : i32
      %xor3A_287 = vector.broadcast %xor3A_286 : i32 to vector<16xi32>
      %xor3A_288 = arith.xori %iota3A_213, %xor3A_287 : vector<16xi32>
      %broadcast_in_dim3A_289 = vector.shape_cast %xor3A_288 : vector<16xi32> to vector<16x1xi32>
      %gather3A_290 = vector.shape_cast %broadcast_in_dim3A_289 : vector<16x1xi32> to vector<16xi32>
      %gather3A_291 = tpu.dynamic_gather %scan3A_211#2[%gather3A_290] in [0] : vector<16xf32>, vector<16xi32> -> vector<16xf32>
      %add3A_292 = arith.addf %scan3A_211#2, %gather3A_291 : vector<16xf32>
      %xor3A_293 = arith.constant 4 : i32
      %xor3A_294 = vector.broadcast %xor3A_293 : i32 to vector<16xi32>
      %xor3A_295 = arith.xori %iota3A_213, %xor3A_294 : vector<16xi32>
      %broadcast_in_dim3A_296 = vector.shape_cast %xor3A_295 : vector<16xi32> to vector<16x1xi32>
      %gather3A_297 = vector.shape_cast %broadcast_in_dim3A_296 : vector<16x1xi32> to vector<16xi32>
      %gather3A_298 = tpu.dynamic_gather %add3A_292[%gather3A_297] in [0] : vector<16xf32>, vector<16xi32> -> vector<16xf32>
      %add3A_299 = arith.addf %add3A_292, %gather3A_298 : vector<16xf32>
      %xor3A_300 = arith.constant 2 : i32
      %xor3A_301 = vector.broadcast %xor3A_300 : i32 to vector<16xi32>
      %xor3A_302 = arith.xori %iota3A_213, %xor3A_301 : vector<16xi32>
      %broadcast_in_dim3A_303 = vector.shape_cast %xor3A_302 : vector<16xi32> to vector<16x1xi32>
      %gather3A_304 = vector.shape_cast %broadcast_in_dim3A_303 : vector<16x1xi32> to vector<16xi32>
      %gather3A_305 = tpu.dynamic_gather %add3A_299[%gather3A_304] in [0] : vector<16xf32>, vector<16xi32> -> vector<16xf32>
      %add3A_306 = arith.addf %add3A_299, %gather3A_305 : vector<16xf32>
      %xor3A_307 = arith.constant 1 : i32
      %xor3A_308 = vector.broadcast %xor3A_307 : i32 to vector<16xi32>
      %xor3A_309 = arith.xori %iota3A_213, %xor3A_308 : vector<16xi32>
      %broadcast_in_dim3A_310 = vector.shape_cast %xor3A_309 : vector<16xi32> to vector<16x1xi32>
      %gather3A_311 = vector.shape_cast %broadcast_in_dim3A_310 : vector<16x1xi32> to vector<16xi32>
      %gather3A_312 = tpu.dynamic_gather %add3A_306[%gather3A_311] in [0] : vector<16xf32>, vector<16xi32> -> vector<16xf32>
      %add3A_313 = arith.addf %add3A_306, %gather3A_312 : vector<16xf32>
      %add3A_314 = arith.addf %select_n3A_282, %add3A_313 : vector<16xf32>
      %select_n3A_315 = arith.select %eq3A_285, %add3A_314, %select_n3A_282 : vector<16xi1>, vector<16xf32>
      %eq3A_316 = arith.constant 3 : i32
      %eq3A_317 = vector.broadcast %eq3A_316 : i32 to vector<16xi32>
      %eq3A_318 = arith.cmpi eq, %iota3A_213, %eq3A_317 : vector<16xi32>
      %xor3A_319 = arith.constant 8 : i32
      %xor3A_320 = vector.broadcast %xor3A_319 : i32 to vector<16xi32>
      %xor3A_321 = arith.xori %iota3A_213, %xor3A_320 : vector<16xi32>
      %broadcast_in_dim3A_322 = vector.shape_cast %xor3A_321 : vector<16xi32> to vector<16x1xi32>
      %gather3A_323 = vector.shape_cast %broadcast_in_dim3A_322 : vector<16x1xi32> to vector<16xi32>
      %gather3A_324 = tpu.dynamic_gather %scan3A_211#3[%gather3A_323] in [0] : vector<16xf32>, vector<16xi32> -> vector<16xf32>
      %add3A_325 = arith.addf %scan3A_211#3, %gather3A_324 : vector<16xf32>
      %xor3A_326 = arith.constant 4 : i32
      %xor3A_327 = vector.broadcast %xor3A_326 : i32 to vector<16xi32>
      %xor3A_328 = arith.xori %iota3A_213, %xor3A_327 : vector<16xi32>
      %broadcast_in_dim3A_329 = vector.shape_cast %xor3A_328 : vector<16xi32> to vector<16x1xi32>
      %gather3A_330 = vector.shape_cast %broadcast_in_dim3A_329 : vector<16x1xi32> to vector<16xi32>
      %gather3A_331 = tpu.dynamic_gather %add3A_325[%gather3A_330] in [0] : vector<16xf32>, vector<16xi32> -> vector<16xf32>
      %add3A_332 = arith.addf %add3A_325, %gather3A_331 : vector<16xf32>
      %xor3A_333 = arith.constant 2 : i32
      %xor3A_334 = vector.broadcast %xor3A_333 : i32 to vector<16xi32>
      %xor3A_335 = arith.xori %iota3A_213, %xor3A_334 : vector<16xi32>
      %broadcast_in_dim3A_336 = vector.shape_cast %xor3A_335 : vector<16xi32> to vector<16x1xi32>
      %gather3A_337 = vector.shape_cast %broadcast_in_dim3A_336 : vector<16x1xi32> to vector<16xi32>
      %gather3A_338 = tpu.dynamic_gather %add3A_332[%gather3A_337] in [0] : vector<16xf32>, vector<16xi32> -> vector<16xf32>
      %add3A_339 = arith.addf %add3A_332, %gather3A_338 : vector<16xf32>
      %xor3A_340 = arith.constant 1 : i32
      %xor3A_341 = vector.broadcast %xor3A_340 : i32 to vector<16xi32>
      %xor3A_342 = arith.xori %iota3A_213, %xor3A_341 : vector<16xi32>
      %broadcast_in_dim3A_343 = vector.shape_cast %xor3A_342 : vector<16xi32> to vector<16x1xi32>
      %gather3A_344 = vector.shape_cast %broadcast_in_dim3A_343 : vector<16x1xi32> to vector<16xi32>
      %gather3A_345 = tpu.dynamic_gather %add3A_339[%gather3A_344] in [0] : vector<16xf32>, vector<16xi32> -> vector<16xf32>
      %add3A_346 = arith.addf %add3A_339, %gather3A_345 : vector<16xf32>
      %add3A_347 = arith.addf %select_n3A_315, %add3A_346 : vector<16xf32>
      %select_n3A_348 = arith.select %eq3A_318, %add3A_347, %select_n3A_315 : vector<16xi1>, vector<16xf32>
      %eq3A_349 = arith.constant 4 : i32
      %eq3A_350 = vector.broadcast %eq3A_349 : i32 to vector<16xi32>
      %eq3A_351 = arith.cmpi eq, %iota3A_213, %eq3A_350 : vector<16xi32>
      %xor3A_352 = arith.constant 8 : i32
      %xor3A_353 = vector.broadcast %xor3A_352 : i32 to vector<16xi32>
      %xor3A_354 = arith.xori %iota3A_213, %xor3A_353 : vector<16xi32>
      %broadcast_in_dim3A_355 = vector.shape_cast %xor3A_354 : vector<16xi32> to vector<16x1xi32>
      %gather3A_356 = vector.shape_cast %broadcast_in_dim3A_355 : vector<16x1xi32> to vector<16xi32>
      %gather3A_357 = tpu.dynamic_gather %scan3A_211#4[%gather3A_356] in [0] : vector<16xf32>, vector<16xi32> -> vector<16xf32>
      %add3A_358 = arith.addf %scan3A_211#4, %gather3A_357 : vector<16xf32>
      %xor3A_359 = arith.constant 4 : i32
      %xor3A_360 = vector.broadcast %xor3A_359 : i32 to vector<16xi32>
      %xor3A_361 = arith.xori %iota3A_213, %xor3A_360 : vector<16xi32>
      %broadcast_in_dim3A_362 = vector.shape_cast %xor3A_361 : vector<16xi32> to vector<16x1xi32>
      %gather3A_363 = vector.shape_cast %broadcast_in_dim3A_362 : vector<16x1xi32> to vector<16xi32>
      %gather3A_364 = tpu.dynamic_gather %add3A_358[%gather3A_363] in [0] : vector<16xf32>, vector<16xi32> -> vector<16xf32>
      %add3A_365 = arith.addf %add3A_358, %gather3A_364 : vector<16xf32>
      %xor3A_366 = arith.constant 2 : i32
      %xor3A_367 = vector.broadcast %xor3A_366 : i32 to vector<16xi32>
      %xor3A_368 = arith.xori %iota3A_213, %xor3A_367 : vector<16xi32>
      %broadcast_in_dim3A_369 = vector.shape_cast %xor3A_368 : vector<16xi32> to vector<16x1xi32>
      %gather3A_370 = vector.shape_cast %broadcast_in_dim3A_369 : vector<16x1xi32> to vector<16xi32>
      %gather3A_371 = tpu.dynamic_gather %add3A_365[%gather3A_370] in [0] : vector<16xf32>, vector<16xi32> -> vector<16xf32>
      %add3A_372 = arith.addf %add3A_365, %gather3A_371 : vector<16xf32>
      %xor3A_373 = arith.constant 1 : i32
      %xor3A_374 = vector.broadcast %xor3A_373 : i32 to vector<16xi32>
      %xor3A_375 = arith.xori %iota3A_213, %xor3A_374 : vector<16xi32>
      %broadcast_in_dim3A_376 = vector.shape_cast %xor3A_375 : vector<16xi32> to vector<16x1xi32>
      %gather3A_377 = vector.shape_cast %broadcast_in_dim3A_376 : vector<16x1xi32> to vector<16xi32>
      %gather3A_378 = tpu.dynamic_gather %add3A_372[%gather3A_377] in [0] : vector<16xf32>, vector<16xi32> -> vector<16xf32>
      %add3A_379 = arith.addf %add3A_372, %gather3A_378 : vector<16xf32>
      %add3A_380 = arith.addf %select_n3A_348, %add3A_379 : vector<16xf32>
      %select_n3A_381 = arith.select %eq3A_351, %add3A_380, %select_n3A_348 : vector<16xi1>, vector<16xf32>
      %swap3A_382 = arith.index_cast %add3A_202 : i32 to index
      %swap3A_383 = arith.constant 0 : index
      %swap3A_384 = tpu.vector_load %arg8[%swap3A_382, %swap3A_383] {strides = array<i32>} : memref<24x16xf32, #tpu.memory_space<vmem>>, vector<1x16xf32>,
      %swap3A_385 = vector.shape_cast %swap3A_384 : vector<1x16xf32> to vector<16xf32>
      %swap3A_386 = vector.shape_cast %select_n3A_381 : vector<16xf32> to vector<1x16xf32>
      tpu.vector_store %arg8[%swap3A_382, %swap3A_383], %swap3A_386 {strides = array<i32>} : memref<24x16xf32, #tpu.memory_space<vmem>>, vector<1x16xf32>,
      %add3A_387 = arith.constant 2 : i32
      %add3A_388 = arith.addi %add3A_202, %add3A_387 : i32
      %lt3A_389 = arith.constant 24 : i32
      %lt3A_390 = arith.cmpi slt, %add3A_388, %lt3A_389 : i32
      %convert_element_type3A_391 = arith.extui %lt3A_390 : i1 to i32
      %cond3A_392 = arith.constant 0 : i32
      %cond3A_393 = arith.cmpi ne, %convert_element_type3A_391, %cond3A_392 : i32
      scf.if %cond3A_393 {
        %add3A_395 = arith.constant 2 : i32
        %add3A_396 = arith.addi %add3A_202, %add3A_395 : i32
        %mul3A_397 = arith.constant 32768 : i32
        %mul3A_398 = arith.muli %add3A_396, %mul3A_397 : i32
        %add3A_399 = arith.addi %mul3A_6, %mul3A_398 : i32
        %dma_start3A_400 = tpu.memref_slice %arg2[%add3A_399] : memref<67108864xf32, #tpu.memory_space<hbm>> -> memref<32768xf32, #tpu.memory_space<hbm>>
        %dma_start3A_401 = tpu.memref_slice %arg2[%add3A_399] : memref<67108864xf32, #tpu.memory_space<hbm>> -> memref<32768xf32, #tpu.memory_space<hbm>>
        tpu.enqueue_dma source(%dma_start3A_401 : memref<32768xf32, #tpu.memory_space<hbm>>) target(%arg6 : memref<32768xf32, #tpu.memory_space<vmem>>) target_semaphore(%arg10 : memref<!tpu.dma_semaphore, #tpu.memory_space<semaphore_mem>>)
      } else {
      }
      %scan3A_394 = arith.constant 0 : i32
      scf.yield %scan3A_394 : i32
    }
    %scan3A_17 = arith.constant 12 : i32
    "tpu.region"() ({
      %run_scoped3A = tpu.sem_alloc : memref<!tpu.dma_semaphore, #tpu.memory_space<semaphore_mem>>
      %dma_start3A_18 = arith.constant 0 : i32
      %dma_start3A_19 = tpu.memref_slice %arg4[%mul3A_2, %dma_start3A_18] : memref<768x16xf32, #tpu.memory_space<hbm>> -> memref<24x16xf32, #tpu.memory_space<hbm>>
      %dma_start3A_20 = arith.constant 0 : i32
      %dma_start3A_21 = tpu.memref_slice %arg4[%mul3A_2, %dma_start3A_20] : memref<768x16xf32, #tpu.memory_space<hbm>> -> memref<24x16xf32, #tpu.memory_space<hbm>>
      tpu.enqueue_dma source(%arg8 : memref<24x16xf32, #tpu.memory_space<vmem>>) target(%dma_start3A_21 : memref<24x16xf32, #tpu.memory_space<hbm>>) target_semaphore(%run_scoped3A : memref<!tpu.dma_semaphore, #tpu.memory_space<semaphore_mem>>)
      %dma_wait3A = arith.constant 0 : i32
      %dma_wait3A_22 = tpu.memref_slice %arg4[%mul3A_2, %dma_wait3A] : memref<768x16xf32, #tpu.memory_space<hbm>> -> memref<24x16xf32, #tpu.memory_space<hbm>>
      %dma_wait3A_23 = arith.constant 0 : i32
      %dma_wait3A_24 = tpu.memref_slice %arg4[%mul3A_2, %dma_wait3A_23] : memref<768x16xf32, #tpu.memory_space<hbm>> -> memref<24x16xf32, #tpu.memory_space<hbm>>
      tpu.wait_dma2 semaphore(%run_scoped3A : memref<!tpu.dma_semaphore, #tpu.memory_space<semaphore_mem>>) src(%arg8 : memref<24x16xf32, #tpu.memory_space<vmem>>) dst(%dma_wait3A_24 : memref<24x16xf32, #tpu.memory_space<hbm>>)
      tpu.yield
    }) : () -> ()
    return
  }
}

module attributes {stable_mosaic.version = 14 : i64} {
  func.func @_pool_kernel(%arg0: i32, %arg1: memref<64x16x2x8x128xf32, #tpu.memory_space<vmem>>, %arg2: memref<8x128x8xf32, #tpu.memory_space<vmem>>, %arg3: memref<64x8xf32, #tpu.memory_space<vmem>>) attributes {dimension_semantics = [#tpu.dimension_semantics<arbitrary>], iteration_bounds = array<i64: 20>, scalar_prefetch = 0 : i64, scratch_operands = 0 : i64, tpu.core_type = #tpu.core_type<tc>, window_params = [{transform_indices = @transform_0, window_bounds = array<i64: 64, 16, 2, 8, 128>}, {pipeline_mode = #tpu.pipeline_mode<synchronous>, transform_indices = @transform_1, window_bounds = array<i64: 8, 128, 8>}, {transform_indices = @transform_2, window_bounds = array<i64: 64, 8>}]} {
    %get3A = arith.constant 0 : index
    %get3A_0 = arith.constant 0 : index
    %get3A_1 = arith.constant 0 : index
    %get3A_2 = arith.constant 0 : index
    %get3A_3 = arith.constant 0 : index
    %get3A_4 = vector.load %arg1[%get3A, %get3A_0, %get3A_1, %get3A_2, %get3A_3] : memref<64x16x2x8x128xf32, #tpu.memory_space<vmem>>, vector<64x16x2x8x128xf32>
    %reduce_sum3A = arith.constant dense<0.000000e+00> : vector<64x8x128xf32>
    %reduce_sum3A_5 = vector.multi_reduction <add>, %get3A_4, %reduce_sum3A [1, 2] : vector<64x16x2x8x128xf32> to vector<64x8x128xf32>
    %broadcast_in_dim3A = arith.constant 0.000000e+00 : f32
    %broadcast_in_dim3A_6 = vector.broadcast %broadcast_in_dim3A : f32 to vector<64x8xf32>
    %slice3A = vector.extract_strided_slice %reduce_sum3A_5 {offsets = [0, 0, 0], sizes = [64, 1, 128], strides = [1, 1, 1]} : vector<64x8x128xf32> to vector<64x1x128xf32>
    %squeeze3A = vector.shape_cast %slice3A : vector<64x1x128xf32> to vector<64x128xf32>
    %get3A_7 = arith.constant 0 : index
    %get3A_8 = arith.constant 0 : index
    %get3A_9 = arith.constant 0 : index
    %get3A_10 = vector.load %arg2[%get3A_7, %get3A_8, %get3A_9] : memref<8x128x8xf32, #tpu.memory_space<vmem>>, vector<1x128x8xf32>
    %get3A_11 = vector.shape_cast %get3A_10 : vector<1x128x8xf32> to vector<128x8xf32>
    %dot_general3A = arith.constant dense<0.000000e+00> : vector<64x8xf32>
    %dot_general3A_12 = tpu.matmul %squeeze3A, %get3A_11, %dot_general3A {dimension_numbers = #tpu.dot_dimension_numbers<[1], [0], [0], [1], [0, 0, 1, 1], [], []>, transpose_lhs_hint = false} : vector<64x128xf32>, vector<128x8xf32>, vector<64x8xf32> -> vector<64x8xf32>
    %add3A = arith.addf %broadcast_in_dim3A_6, %dot_general3A_12 : vector<64x8xf32>
    %slice3A_13 = vector.extract_strided_slice %reduce_sum3A_5 {offsets = [0, 1, 0], sizes = [64, 1, 128], strides = [1, 1, 1]} : vector<64x8x128xf32> to vector<64x1x128xf32>
    %squeeze3A_14 = vector.shape_cast %slice3A_13 : vector<64x1x128xf32> to vector<64x128xf32>
    %get3A_15 = arith.constant 1 : index
    %get3A_16 = arith.constant 0 : index
    %get3A_17 = arith.constant 0 : index
    %get3A_18 = vector.load %arg2[%get3A_15, %get3A_16, %get3A_17] : memref<8x128x8xf32, #tpu.memory_space<vmem>>, vector<1x128x8xf32>
    %get3A_19 = vector.shape_cast %get3A_18 : vector<1x128x8xf32> to vector<128x8xf32>
    %dot_general3A_20 = arith.constant dense<0.000000e+00> : vector<64x8xf32>
    %dot_general3A_21 = tpu.matmul %squeeze3A_14, %get3A_19, %dot_general3A_20 {dimension_numbers = #tpu.dot_dimension_numbers<[1], [0], [0], [1], [0, 0, 1, 1], [], []>, transpose_lhs_hint = false} : vector<64x128xf32>, vector<128x8xf32>, vector<64x8xf32> -> vector<64x8xf32>
    %add3A_22 = arith.addf %add3A, %dot_general3A_21 : vector<64x8xf32>
    %slice3A_23 = vector.extract_strided_slice %reduce_sum3A_5 {offsets = [0, 2, 0], sizes = [64, 1, 128], strides = [1, 1, 1]} : vector<64x8x128xf32> to vector<64x1x128xf32>
    %squeeze3A_24 = vector.shape_cast %slice3A_23 : vector<64x1x128xf32> to vector<64x128xf32>
    %get3A_25 = arith.constant 2 : index
    %get3A_26 = arith.constant 0 : index
    %get3A_27 = arith.constant 0 : index
    %get3A_28 = vector.load %arg2[%get3A_25, %get3A_26, %get3A_27] : memref<8x128x8xf32, #tpu.memory_space<vmem>>, vector<1x128x8xf32>
    %get3A_29 = vector.shape_cast %get3A_28 : vector<1x128x8xf32> to vector<128x8xf32>
    %dot_general3A_30 = arith.constant dense<0.000000e+00> : vector<64x8xf32>
    %dot_general3A_31 = tpu.matmul %squeeze3A_24, %get3A_29, %dot_general3A_30 {dimension_numbers = #tpu.dot_dimension_numbers<[1], [0], [0], [1], [0, 0, 1, 1], [], []>, transpose_lhs_hint = false} : vector<64x128xf32>, vector<128x8xf32>, vector<64x8xf32> -> vector<64x8xf32>
    %add3A_32 = arith.addf %add3A_22, %dot_general3A_31 : vector<64x8xf32>
    %slice3A_33 = vector.extract_strided_slice %reduce_sum3A_5 {offsets = [0, 3, 0], sizes = [64, 1, 128], strides = [1, 1, 1]} : vector<64x8x128xf32> to vector<64x1x128xf32>
    %squeeze3A_34 = vector.shape_cast %slice3A_33 : vector<64x1x128xf32> to vector<64x128xf32>
    %get3A_35 = arith.constant 3 : index
    %get3A_36 = arith.constant 0 : index
    %get3A_37 = arith.constant 0 : index
    %get3A_38 = vector.load %arg2[%get3A_35, %get3A_36, %get3A_37] : memref<8x128x8xf32, #tpu.memory_space<vmem>>, vector<1x128x8xf32>
    %get3A_39 = vector.shape_cast %get3A_38 : vector<1x128x8xf32> to vector<128x8xf32>
    %dot_general3A_40 = arith.constant dense<0.000000e+00> : vector<64x8xf32>
    %dot_general3A_41 = tpu.matmul %squeeze3A_34, %get3A_39, %dot_general3A_40 {dimension_numbers = #tpu.dot_dimension_numbers<[1], [0], [0], [1], [0, 0, 1, 1], [], []>, transpose_lhs_hint = false} : vector<64x128xf32>, vector<128x8xf32>, vector<64x8xf32> -> vector<64x8xf32>
    %add3A_42 = arith.addf %add3A_32, %dot_general3A_41 : vector<64x8xf32>
    %slice3A_43 = vector.extract_strided_slice %reduce_sum3A_5 {offsets = [0, 4, 0], sizes = [64, 1, 128], strides = [1, 1, 1]} : vector<64x8x128xf32> to vector<64x1x128xf32>
    %squeeze3A_44 = vector.shape_cast %slice3A_43 : vector<64x1x128xf32> to vector<64x128xf32>
    %get3A_45 = arith.constant 4 : index
    %get3A_46 = arith.constant 0 : index
    %get3A_47 = arith.constant 0 : index
    %get3A_48 = vector.load %arg2[%get3A_45, %get3A_46, %get3A_47] : memref<8x128x8xf32, #tpu.memory_space<vmem>>, vector<1x128x8xf32>
    %get3A_49 = vector.shape_cast %get3A_48 : vector<1x128x8xf32> to vector<128x8xf32>
    %dot_general3A_50 = arith.constant dense<0.000000e+00> : vector<64x8xf32>
    %dot_general3A_51 = tpu.matmul %squeeze3A_44, %get3A_49, %dot_general3A_50 {dimension_numbers = #tpu.dot_dimension_numbers<[1], [0], [0], [1], [0, 0, 1, 1], [], []>, transpose_lhs_hint = false} : vector<64x128xf32>, vector<128x8xf32>, vector<64x8xf32> -> vector<64x8xf32>
    %add3A_52 = arith.addf %add3A_42, %dot_general3A_51 : vector<64x8xf32>
    %slice3A_53 = vector.extract_strided_slice %reduce_sum3A_5 {offsets = [0, 5, 0], sizes = [64, 1, 128], strides = [1, 1, 1]} : vector<64x8x128xf32> to vector<64x1x128xf32>
    %squeeze3A_54 = vector.shape_cast %slice3A_53 : vector<64x1x128xf32> to vector<64x128xf32>
    %get3A_55 = arith.constant 5 : index
    %get3A_56 = arith.constant 0 : index
    %get3A_57 = arith.constant 0 : index
    %get3A_58 = vector.load %arg2[%get3A_55, %get3A_56, %get3A_57] : memref<8x128x8xf32, #tpu.memory_space<vmem>>, vector<1x128x8xf32>
    %get3A_59 = vector.shape_cast %get3A_58 : vector<1x128x8xf32> to vector<128x8xf32>
    %dot_general3A_60 = arith.constant dense<0.000000e+00> : vector<64x8xf32>
    %dot_general3A_61 = tpu.matmul %squeeze3A_54, %get3A_59, %dot_general3A_60 {dimension_numbers = #tpu.dot_dimension_numbers<[1], [0], [0], [1], [0, 0, 1, 1], [], []>, transpose_lhs_hint = false} : vector<64x128xf32>, vector<128x8xf32>, vector<64x8xf32> -> vector<64x8xf32>
    %add3A_62 = arith.addf %add3A_52, %dot_general3A_61 : vector<64x8xf32>
    %slice3A_63 = vector.extract_strided_slice %reduce_sum3A_5 {offsets = [0, 6, 0], sizes = [64, 1, 128], strides = [1, 1, 1]} : vector<64x8x128xf32> to vector<64x1x128xf32>
    %squeeze3A_64 = vector.shape_cast %slice3A_63 : vector<64x1x128xf32> to vector<64x128xf32>
    %get3A_65 = arith.constant 6 : index
    %get3A_66 = arith.constant 0 : index
    %get3A_67 = arith.constant 0 : index
    %get3A_68 = vector.load %arg2[%get3A_65, %get3A_66, %get3A_67] : memref<8x128x8xf32, #tpu.memory_space<vmem>>, vector<1x128x8xf32>
    %get3A_69 = vector.shape_cast %get3A_68 : vector<1x128x8xf32> to vector<128x8xf32>
    %dot_general3A_70 = arith.constant dense<0.000000e+00> : vector<64x8xf32>
    %dot_general3A_71 = tpu.matmul %squeeze3A_64, %get3A_69, %dot_general3A_70 {dimension_numbers = #tpu.dot_dimension_numbers<[1], [0], [0], [1], [0, 0, 1, 1], [], []>, transpose_lhs_hint = false} : vector<64x128xf32>, vector<128x8xf32>, vector<64x8xf32> -> vector<64x8xf32>
    %add3A_72 = arith.addf %add3A_62, %dot_general3A_71 : vector<64x8xf32>
    %slice3A_73 = vector.extract_strided_slice %reduce_sum3A_5 {offsets = [0, 7, 0], sizes = [64, 1, 128], strides = [1, 1, 1]} : vector<64x8x128xf32> to vector<64x1x128xf32>
    %squeeze3A_74 = vector.shape_cast %slice3A_73 : vector<64x1x128xf32> to vector<64x128xf32>
    %get3A_75 = arith.constant 7 : index
    %get3A_76 = arith.constant 0 : index
    %get3A_77 = arith.constant 0 : index
    %get3A_78 = vector.load %arg2[%get3A_75, %get3A_76, %get3A_77] : memref<8x128x8xf32, #tpu.memory_space<vmem>>, vector<1x128x8xf32>
    %get3A_79 = vector.shape_cast %get3A_78 : vector<1x128x8xf32> to vector<128x8xf32>
    %dot_general3A_80 = arith.constant dense<0.000000e+00> : vector<64x8xf32>
    %dot_general3A_81 = tpu.matmul %squeeze3A_74, %get3A_79, %dot_general3A_80 {dimension_numbers = #tpu.dot_dimension_numbers<[1], [0], [0], [1], [0, 0, 1, 1], [], []>, transpose_lhs_hint = false} : vector<64x128xf32>, vector<128x8xf32>, vector<64x8xf32> -> vector<64x8xf32>
    %add3A_82 = arith.addf %add3A_72, %dot_general3A_81 : vector<64x8xf32>
    %swap3A = arith.constant 0 : index
    %swap3A_83 = arith.constant 0 : index
    %swap3A_84 = vector.load %arg3[%swap3A, %swap3A_83] : memref<64x8xf32, #tpu.memory_space<vmem>>, vector<64x8xf32>
    tpu.vector_store %arg3[%swap3A, %swap3A_83], %add3A_82 {strides = array<i32>} : memref<64x8xf32, #tpu.memory_space<vmem>>, vector<64x8xf32>,
    return
  }
  func.func @transform_0(%arg0: i32) -> (i32, i32, i32, i32, i32) {
    %c0_i32 = arith.constant 0 : i32
    %c0_i32_0 = arith.constant 0 : i32
    %c0_i32_1 = arith.constant 0 : i32
    %c0_i32_2 = arith.constant 0 : i32
    %c0_i32_3 = arith.constant 0 : i32
    return %arg0, %c0_i32, %c0_i32_0, %c0_i32_1, %c0_i32_2 : i32, i32, i32, i32, i32
  }
  func.func @transform_1(%arg0: i32) -> (i32, i32, i32) {
    %c0_i32 = arith.constant 0 : i32
    %c0_i32_0 = arith.constant 0 : i32
    %c0_i32_1 = arith.constant 0 : i32
    %c0_i32_2 = arith.constant 0 : i32
    return %c0_i32, %c0_i32_0, %c0_i32_1 : i32, i32, i32
  }
  func.func @transform_2(%arg0: i32) -> (i32, i32) {
    %c0_i32 = arith.constant 0 : i32
    %c0_i32_0 = arith.constant 0 : i32
    return %arg0, %c0_i32 : i32, i32
  }
}

</mosaic_0001>

<sc_bundles>
// kernel: kernel.4.cloned.1.call-start
scs
__scs_entry_jumppad:
0x0: {  	(pc) =	sbr.rel $0x88, $3  }
0x1: {  	(tag) =	ssettag $0x0;
	lr =	simm.s32 $0x1  }
0x2: {  	[smem:$0x3F9C] =	sst lr;
	_ =	strace $0xD0000000  }
0x3: {  	_ = 	snop  }
0x4: {  	_ = 	snop  }
0x5: {  	_ = 	snop  }
0x6: {  	_ = 	snop  }
0x7: {  	_ = 	snop  }
__scs_overlays_trampoline_lowered:
0x8: {  	[smem:$0x3FAB] =	sst s0  }
0x9: {  	[smem:$0x3FAC] =	sst s1  }
0xa: {  	[smem:$0x3FAD] =	sst s2  }
0xb: {  	[smem:$0x3FAE] =	sst s3  }
0xc: {  	[smem:$0x3FAF] =	sst s4  }
0xd: {  	[smem:$0x3FB0] =	sst s5  }
0xe: {  	[smem:$0x3FB1] =	sst s6  }
0xf: {  	[smem:$0x3FB2] =	sst s7  }
0x10: {  	[smem:$0x3FB3] =	sst s8  }
0x11: {  	[smem:$0x3FB4] =	sst s9;
	s0 =	simm.s32 @!p0 $0x0  }
0x12: {  	s1 =	sld [smem:$0x3F9A];
	s0 =	simm.s32 @p0 $0x1  }
0x13: {  	[smem:$0x3FB5] =	sst s0;
	s0 =	simm.s32 @!p1 $0x0  }
0x14: {  	s2 =	sld [smem:$0x3F99];
	s0 =	simm.s32 @p1 $0x1  }
0x15: {  	[smem:$0x3FB6] =	sst s0;
	s0 =	simm.s32 @!p2 $0x0  }
0x16: {  	s3 =	sld [smem:$0x3FDB];
	s0 =	simm.s32 @p2 $0x1  }
0x17: {  	s4 =	simm.s32 $0x1BF5;
	[smem:$0x3FB8] =	sst s0  }
0x18: {  	s0 =	sld [smem:$0x3F9B];
	_ =	swait.ge [sflag:s4], $0x0  }
0x19: {  	s7 =	sld [smem:$0x3F9C]  }
0x1a: {  	s8 =	sadd.s32 $0xFFFFE003, lr  }
0x1b: {  	s9 =	sadd.s32 $0xFFFFFEF7, lr;
	s5 =	simm.s32 $0xFFFFFFFF;
	p2 =	slt.u32 s8, $0xFFFFF086  }
0x1c: {  	p1 =	slt.u32 s9, $0xF7A;
	s5 =	simm.s32 @!p2 $0x0  }
0x1d: {  	s5 =	simm.s32 @p1 $0x1;
	p0 =	seq.s32 s7, s2  }
0x1e: {  	s7 =	smul.u32 @!p0 $0xF7A, s2;
	p2 =	seq.s32 @!p0 s5, $0x0  }
0x1f: {  	s9 =	smul.u32 $0xF7A, s1;
	s8 =	simm.s32 @!p0 $0x1BF5;
	p2 =	por !p2, p0  }
0x20: {  	[sflag:s8] =	ssyncset.s32 @!p0 $0xFFFFF086;
	s6 =	sadd.s32 @!p0 s3, s7;
	s7 =	simm.s32 @!p0 $0x108  }
0x21: {  	s3 =	sadd.s32 s3, s9;
	s6 =	sadd.s32 @!p0 $0x88, s6;
	s7 =	simm.s32 @p2 $0x1082  }
0x22: {  	[simem:s7], [sflag:s8] =	dma.local @!p0 [hbm:s6], $0xF7A  }
0x23: {  	s9 =	sor.u32 $0xD0000000, s2;
	s6 =	simm.s32 $0x108;
	_ =	swait.ge @!p0 [sflag:s8], $0x0  }
0x24: {  	s3 =	sadd.s32 $0x88, s3;
	s6 =	simm.s32 @!p1 $0x1082;
	[sflag:s4] =	ssyncset.s32 $0xFFFFF086  }
0x25: {  	[simem:s6], [sflag:s4] =	dma.local [hbm:s3], $0xF7A  }
0x26: {  	[smem:$0x3F9C] =	sst s1;
	(tag) =	ssettag s2;
	_ =	strace s9  }
0x27: {  	s1 =	sld [smem:$0x3FAC]  }
0x28: {  	s2 =	sld [smem:$0x3FAD]  }
0x29: {  	s4 =	sld [smem:$0x3FAF]  }
0x2a: {  	p0 =	seq.s32 s5, $0x0;
	s5 =	sld [smem:$0x3FB0]  }
0x2b: {  	s6 =	sld [smem:$0x3FB1]  }
0x2c: {  	s7 =	sld [smem:$0x3FB2]  }
0x2d: {  	s3 =	simm.s32 $0x108;
	s8 =	sld [smem:$0x3FB3]  }
0x2e: {  	s3 =	simm.s32 @!p0 $0x1082;
	s9 =	sld [smem:$0x3FB4]  }
0x2f: {  	lr =	sadd.s32 s0, s3;
	s0 =	sld [smem:$0x3FAB]  }
0x30: {  	s3 =	sld [smem:$0x3FAE]  }
0x31: {  	[smem:$0x3FB7] =	sst s10  }
0x32: {  	s10 =	sld [smem:$0x3FB5];
	_ =	sdelay $0x3  }
0x33: {  	p0 =	seq.s32 s10, $0x1;
	s10 =	sld [smem:$0x3FB7];
	_ =	sdelay $0x3  }
0x34: {  	[smem:$0x3FB7] =	sst s10  }
0x35: {  	s10 =	sld [smem:$0x3FB6];
	_ =	sdelay $0x3  }
0x36: {  	p1 =	seq.s32 s10, $0x1;
	s10 =	sld [smem:$0x3FB7];
	_ =	sdelay $0x3  }
0x37: {  	[smem:$0x3FB7] =	sst s10  }
0x38: {  	s10 =	sld [smem:$0x3FB8]  }
0x39: {  	_ = 	snop;
	(pc) =	sbr.ind lr, $3  }
0x3a: {  	_ = 	snop  }
0x3b: {  	_ = 	snop  }
0x3c: {  	p2 =	seq.s32 s10, $0x1;
	s10 =	sld [smem:$0x3FB7]  }
0x3d: {  	_ =	shalt  }
0x3e: {  	_ =	shalt  }
0x3f: {  	_ =	shalt  }
0x40: {  	_ =	shalt  }
0x41: {  	_ =	shalt  }
0x42: {  	_ =	shalt  }
0x43: {  	_ =	shalt  }
0x44: {  	_ =	shalt  }
0x45: {  	_ =	shalt  }
0x46: {  	_ =	shalt  }
0x47: {  	_ =	shalt  }
0x48: {  	_ =	shalt  }
0x49: {  	_ =	shalt  }
0x4a: {  	_ =	shalt  }
0x4b: {  	_ =	shalt  }
0x4c: {  	_ =	shalt  }
0x4d: {  	_ =	shalt  }
0x4e: {  	_ =	shalt  }
0x4f: {  	_ =	shalt  }
0x50: {  	_ =	shalt  }
0x51: {  	_ =	shalt  }
0x52: {  	_ =	shalt  }
0x53: {  	_ =	shalt  }
0x54: {  	_ =	shalt  }
0x55: {  	_ =	shalt  }
0x56: {  	_ =	shalt  }
0x57: {  	_ =	shalt  }
0x58: {  	_ =	shalt  }
0x59: {  	_ =	shalt  }
0x5a: {  	_ =	shalt  }
0x5b: {  	_ =	shalt  }
0x5c: {  	_ =	shalt  }
0x5d: {  	_ =	shalt  }
0x5e: {  	_ =	shalt  }
0x5f: {  	_ =	shalt  }
0x60: {  	_ =	shalt  }
0x61: {  	_ =	shalt  }
0x62: {  	_ =	shalt  }
0x63: {  	_ =	shalt  }
0x64: {  	_ =	shalt  }
0x65: {  	_ =	shalt  }
0x66: {  	_ =	shalt  }
0x67: {  	_ =	shalt  }
0x68: {  	_ =	shalt  }
0x69: {  	_ =	shalt  }
0x6a: {  	_ =	shalt  }
0x6b: {  	_ =	shalt  }
0x6c: {  	_ =	shalt  }
0x6d: {  	_ =	shalt  }
0x6e: {  	_ =	shalt  }
0x6f: {  	_ =	shalt  }
0x70: {  	_ =	shalt  }
0x71: {  	_ =	shalt  }
0x72: {  	_ =	shalt  }
0x73: {  	_ =	shalt  }
0x74: {  	_ =	shalt  }
0x75: {  	_ =	shalt  }
0x76: {  	_ =	shalt  }
0x77: {  	_ =	shalt  }
0x78: {  	_ =	shalt  }
0x79: {  	_ =	shalt  }
0x7a: {  	_ =	shalt  }
0x7b: {  	_ =	shalt  }
0x7c: {  	_ =	shalt  }
0x7d: {  	_ =	shalt  }
0x7e: {  	_ =	shalt  }
0x7f: {  	_ =	shalt  }
0x80: {  	_ =	shalt  }
0x81: {  	_ =	shalt  }
0x82: {  	_ =	shalt  }
0x83: {  	_ =	shalt  }
0x84: {  	_ =	shalt  }
0x85: {  	_ =	shalt  }
0x86: {  	_ =	shalt  }
0x87: {  	_ =	shalt  }
.Lfunc_end0:
.L_simem_size_0:
called_computation_lowered:
.L_overlay_start_0:
0x88: {  	s2 =	sld [smem:$0x3FD9]  }
0x89: {  	s3 =	sld [smem:$0x3FFE];
	_ =	sdelay $0x1  }
0x8a: {  	s1 =	srdreg.scid  }
0x8b: {  	s0 =	sand.u32 $0x1, s1  }
0x8c: {  	s14 =	sshll.u32 s0, $0xA;
	s2 =	sadd.s32 s3, s2  }
0x8d: {  	s2 =	sadd.s32 s2, s14  }
0x8e: {  	[smem:$0x3FC3] =	sst s2  }
0x8f: {  	_ = 	snop  }
0x90: {  	s2 =	sld [smem:$0x3FD0];
	_ =	sdelay $0x2  }
0x91: {  	s4 =	simm.s32 $0xA;
	s5 =	simm.s32 $0x10;
	s15 =	sld [smem:$0x3FC9]  }
0x92: {  	[smem:s5], [sflag:s4] =	dma.local [hbm:s2], $0x1  }
0x93: {  	_ =	swait.eq [sflag:s4], $0x1  }
0x94: {  	[sflag:s4] =	ssyncset.done $0x0  }
0x95: {  	[sflag:s4] =	ssyncadd.s32 $0xFFFFFFFF  }
0x96: {  	s16 =	sld [smem:$0x11];
	(tm) =	ssettm $0x1  }
0x97: {  	s17 =	sld [smem:$0x3FFB];
	_ =	sdelay $0x3  }
0x98: {  	_ =	strace s17  }
0x99: {  	s4 =	sld [smem:$0x3FFC];
	_ =	sdelay $0x3  }
0x9a: {  	_ =	strace s4  }
0x9b: {  	s4 =	sld [smem:$0x3FFD];
	_ =	sdelay $0x3  }
0x9c: {  	_ =	strace s4  }
0x9d: {  	_ =	strace $0x8FFFFFFF  }
0x9e: {  	s18 =	sld [smem:$0x3FDB];
	_ =	sdelay $0x1  }
0x9f: {  	s19 =	simm.s32 $_scs_section_size  }
0xa0: {  	s6 =	simm.s32 $_size__tile_overlayer_lowered;
	s7 =	simm.s32 $_tile_overlayer_lowered  }
0xa1: {  	s22 =	simm.s32 $0x1BFF;
	s21 =	sshll.u32 s7, $0x1;
	s4 =	sadd.s32 s19, s18  }
0xa2: {  	s8 =	simm.s32 $0x0;
	s20 =	sshll.u32 s6, $0x1;
	s6 =	sadd.s32 s21, s4  }
0xa3: {  	[timem:s8], [sflag:s22] =	dma.local [hbm:s6], s20  }
0xa4: {  	_ =	swait.ge [sflag:s22], s20  }
0xa5: {  	s5 =	ssub.s32 $0x0, s20;
	[sflag:s22] =	ssyncset.done $0x0  }
0xa6: {  	[sflag:s22] =	ssyncadd.s32 s5;
	_ =	sdelay $0x1  }
0xa7: {  	s23 =	simm.s32 $0x1B8B  }
0xa8: {  	_ =	swait.ge [sflag:s23], $0x1  }
0xa9: {  	[sflag:s23] =	ssyncset.done $0x0  }
0xaa: {  	s25 =	simm.s32 $0x1B8E;
	s24 =	sld [smem:$0x3FFE];
	[sflag:s23] =	ssyncadd.s32 $0xFFFFFFFF  }
0xab: {  	s26 =	simm.s32 $execute0_lowered;
	[smem:$0x3FD2] =	sst s25  }
0xac: {  	s6 =	sshll.u32 s26, $0x1;
	_ =	strace $0x80000046;
	[dreg:$0x1] =	wrdreg $0xFFFFFFFF  }
0xad: {  	s28 =	simm.s32 $_size_execute0_lowered;
	s4 =	sadd.s32 s4, s6;
	[dreg:$0x0] =	wrdreg $0x0  }
0xae: {  	s6 =	sshll.u32 s28, $0x1;
	[dreg:$0x2] =	wrdreg s4  }
0xaf: {  	[dreg:$0x3] =	wrdreg s6  }
0xb0: {  	[dreg:$0x4] =	wrdreg $0xC0  }
0xb1: {  	_ =	task [dreg:s8], $0x5FFFF  }
0xb2: {  	[dreg:$0x1] =	wrdreg $0xFFFFFFFF  }
0xb3: {  	[dreg:$0x0] =	wrdreg $0x60  }
0xb4: {  	[dreg:$0x2] =	wrdreg s15  }
0xb5: {  	[dreg:$0x3] =	wrdreg s16  }
0xb6: {  	[dreg:$0x4] =	wrdreg s24  }
0xb7: {  	[dreg:$0x5] =	wrdreg $0x9  }
0xb8: {  	_ =	task.clear_ibuf [dreg:s8], $0x6FFFF;
	_ =	strace $0x90000046  }
0xb9: {  	s29 =	simm.s32 $0x9;
	_ =	strace $0x80000048  }
0xba: {  	_ =	swait.ge [sflag:s29], $0x1  }
0xbb: {  	[sflag:s29] =	ssyncadd.s32 $0xFFFFFFFF  }
0xbc: {  	_ =	strace $0x90000048  }
0xbd: {  	_ =	sfence  }
0xbe: {  	s30 =	sld [smem:$0x0];
	_ =	sdelay $0x2  }
0xbf: {  	s31 =	sshll.u32 s1, $0xD;
	s1 =	sshrl.u32 s1, $0x2  }
0xc0: {  	s3 =	sand.u32 $0x4000, s31;
	s1 =	sadd.s32 s1, s30  }
0xc1: {  	s0 =	sor.u32 s3, s0;
	s1 =	sshll.u32 s1, $0x11  }
0xc2: {  	s0 =	sor.u32 s1, s0  }
0xc3: {  	s0 =	sadd.s32 $0x8F2B, s0  }
0xc4: {  	[sflag:s0] =	ssyncadd.remote.s32 $0x1  }
0xc5: {  	_ =	sfence.sel $0xFFFF  }
0xc6: {  	[dreg:$0x0] =	wrdreg $0xFFFFFFFF;
	(pc) =	sbr.abs _section_cstart, $3  }
0xc7: {  	[dreg:$0x1] =	wrdreg $0xFFFFFFFF  }
0xc8: {  	_ =	task.clear_ibuf [dreg:s8], $0x2FFFF;
	_ =	strace $0x9FFFFFFF  }
0xc9: {  	(tm) =	ssettm $0x7FFFFFFF  }
tec
execute0_lowered:
.L_overlay_start_1:
0x0: {  	(tag) =	ssettag $0x1  }
0x1: {  	v0 =	vimm.s32 $0x76543210  }
0x2: {  	s1 =	rddreg [dreg:$0x0];
	v1 =	vimm.s32 $0xFEDCBA98;
	s3 =	srdreg.scid;
	v2 =	vimm.s32 $0xBA98FEDC;
	v3 =	vimm.s32 $0x32107654  }
0x3: {  	s0 =	stileid.u32;
	s2 =	rddreg [dreg:$0x1];
	v4 =	vimm.s32 $0xDCFE98BA;
	v5 =	vimm.s32 $0x54761032;
	v6 =	vimm.s32 $0xEFCDAB89  }
0x4: {  	s6 =	rddreg [dreg:$0x2];
	s4 =	simm.s32 $0x0;
	v7 =	vimm.s32 $0x67452301;
	s12 =	simm.s32 $0x3;
	vm0 =	vmmov $0x1;
	vm1 =	vcmask $0x30C  }
0x5: {  	s13 =	simm.s32 $0x8000;
	v0 =	vunpack.c.l.s4.s8 v0;
	v1 =	vunpack.c.l.s4.s8 v1;
	s5 =	sand.u32 $0x1, s3;
	s31 =	sshll.u32 s0, $0x1;
	v2 =	vunpack.c.l.s4.s8 v2  }
0x6: {  	s14 =	simm.s32 $0x1;
	s15 =	simm.s32 $0x2;
	v3 =	vunpack.c.l.s4.s8 v3;
	v4 =	vunpack.c.l.s4.s8 v4;
	v5 =	vunpack.c.l.s4.s8 v5;
	s7 =	sor.u32 s5, s31  }
0x7: {  	s16 =	simm.s32 $0x11480;
	s17 =	simm.s32 $0x0;
	v6 =	vunpack.c.l.s4.s8 v6;
	v7 =	vunpack.c.l.s4.s8 v7;
	s8 =	smul.u32 $0xC0000, s7;
	v2 =	vunpack.c.0.s8.s32 v2  }
0x8: {  	s3 =	rddreg [dreg:$0x3];
	s5 =	ssub.s32 $0x2, s5;
	s7 =	smul.u32 $0x180, s7;
	v3 =	vunpack.c.0.s8.s32 v3;
	v4 =	vunpack.c.0.s8.s32 v4;
	v5 =	vunpack.c.0.s8.s32 v5  }
.Ltmp0:
0x9: {  	[smem:$0x7FF] =	sst s4;
	s10 =	sshrl.u32 s5, $0x1;
	v1 =	vunpack.c.0.s8.s32 v1;
	v6 =	vunpack.c.0.s8.s32 v6;
	v7 =	vunpack.c.0.s8.s32 v7;
	(pc) =	sbr.rel .LBB2_1-.Ltmp0, $4  }
0xa: {  	vm2 =	vcmask $0x710;
	_ =	strace $0x80000047;
	v0 =	vunpack.c.0.s8.s32 v0;
	s10 =	ssub.s32 s5, s10;
	s9 =	sshrl.u32 s8, $0x3;
	v2 =	vcombine.low v3, v2  }
0xb: {  	v3 =	vcombine.low v5, v4;
	s11 =	sadd.s32 s7, s6;
	v4 =	vcombine.low v7, v6;
	s7 =	sadd.s32 $0x2810000, s8;
	v1 =	vand.u32 $0xF, v1;
	s9 =	sadd.s32 s1, s9  }
0xc: {  	vm3 =	vcmask $0xB14;
	vm4 =	vcmask $0xF14;
	s8 =	sadd.s32 $0x2818000, s8;
	s10 =	smax.u32 s10, $0x1;
	v0 =	vcombine.low v1, v0;
	s5 =	sadd.s32 $0x500000, s9  }
0xd: {  	s6 =	sadd.s32 $0x501000, s9;
	s9 =	sadd.s32 $0xC00, s11;
	s11 =	simm.s32 $0x10000;
	v1 =	vand.u32 $0xF, v2;
	v2 =	vand.u32 $0xF, v3;
	v3 =	vand.u32 $0xF, v4  }
.LBB2_8:
0xe: {  	s17 =	sadd.s32 $0x1, s17  }
0xf: {  	p0 =	sne.s32 s17, s10  }
.Ltmp1:
0x10: {  	_ = 	snop;
	(pc) =	sbr.rel @!p0 .LBB2_9-.Ltmp1, $4  }
0x11: {  	[hbm4b:s9+s4] =	stream.linear.scatter [tilespmem:s16], [sflag:$0x3], $0xC00, $0x38;
	[tilespmem:$0x12080] =	vst v63  }
0x12: {  	_ =	swait.ge [sflag:s12], $0xC00  }
0x13: {  	[sflag:s12] =	ssyncset.done $0x0  }
0x14: {  	[sflag:s12] =	ssyncadd.s32 $0xFFFFF400  }
.LBB2_1:
0x15: {  	[tilespmem:s11], [sflag:$0x3] =	stream.linear.gather [hbm4b:s2+s4], $0x1480, $0x38;
	[tilespmem:$0x12080] =	vst v63  }
0x16: {  	_ =	swait.ge [sflag:s12], $0x1480  }
0x17: {  	[sflag:s12] =	ssyncset.done $0x0  }
0x18: {  	[sflag:s12] =	ssyncadd.s32 $0xFFFFEB80  }
0x19: {  	[tilespmem:s4], [sflag:$0x1] =	stream.linear.gather [hbm4b:s5+s4], $0x8000, $0x38;
	[tilespmem:$0x12080] =	vst v63  }
0x1a: {  	s18 =	simm.s32 $0x0  }
0x1b: {  	[tilespmem:s13], [sflag:$0x2] =	stream.linear.gather [hbm4b:s6+s4], $0x8000, $0x38;
	[tilespmem:$0x12080] =	vst v63  }
.LBB2_2:
0x1c: {  	_ =	swait.ge [sflag:s14], $0x8000  }
0x1d: {  	[sflag:s14] =	ssyncset.done $0x0  }
0x1e: {  	s19 =	simm.s32 $0x800;
	[sflag:s14] =	ssyncadd.s32 $0xFFFF8000  }
0x1f: {  	v4 =	vld [tilespmem:s19+$0xFFFFF800]  }
0x20: {  	v5 =	vld [tilespmem:s19+$0xFFFFFC00];
	_ =	sdelay $0x1  }
0x21: {  	v6 =	vld [tilespmem:s19+$0x0];
	_ =	sdelay $0x1  }
0x22: {  	v7 =	vld [tilespmem:s19+$0x400]  }
0x23: {  	v4 =	vadd.f32 v5, v4  }
0x24: {  	s20 =	simm.s32 $0x0;
	v5 =	vld [tilespmem:s19+$0x800]  }
0x25: {  	s20 =	sand.u32 $0x3F0, s20;
	v4 =	vadd.f32 v6, v4  }
0x26: {  	v6 =	vld [tilespmem:s20+$0x1400]  }
0x27: {  	v4 =	vadd.f32 v7, v4  }
0x28: {  	v7 =	vld [tilespmem:s20+$0x1800]  }
0x29: {  	v4 =	vadd.f32 v5, v4  }
0x2a: {  	v5 =	vld [tilespmem:s20+$0x1C00]  }
0x2b: {  	v4 =	vadd.f32 v6, v4  }
0x2c: {  	v6 =	vld [tilespmem:s20+$0x2000]  }
0x2d: {  	v4 =	vadd.f32 v7, v4  }
0x2e: {  	v7 =	vld [tilespmem:s20+$0x2400]  }
0x2f: {  	v4 =	vadd.f32 v5, v4  }
0x30: {  	v5 =	vld [tilespmem:s20+$0x2800]  }
0x31: {  	v4 =	vadd.f32 v6, v4  }
0x32: {  	v6 =	vld [tilespmem:s20+$0x2C00]  }
0x33: {  	v4 =	vadd.f32 v7, v4  }
0x34: {  	v7 =	vld [tilespmem:s20+$0x3000]  }
0x35: {  	v4 =	vadd.f32 v5, v4  }
0x36: {  	v5 =	vld [tilespmem:s20+$0x3400]  }
0x37: {  	v4 =	vadd.f32 v6, v4  }
0x38: {  	v6 =	vld [tilespmem:s20+$0x3800]  }
0x39: {  	v4 =	vadd.f32 v7, v4  }
0x3a: {  	v7 =	vld [tilespmem:s20+$0x3C00]  }
0x3b: {  	v8 =	vld [tilespmem:s20+$0x4400];
	v4 =	vadd.f32 v5, v4  }
0x3c: {  	v5 =	vld [tilespmem:s20+$0x4000]  }
0x3d: {  	s31 =	simm.s32 $0x810;
	v9 =	vld [tilespmem:s20+$0x4C00];
	v4 =	vadd.f32 v6, v4  }
0x3e: {  	v10 =	vld [tilespmem:s31+$0xFFFFFC00]  }
0x3f: {  	v6 =	vld [tilespmem:s20+$0x4800];
	v4 =	vadd.f32 v7, v4  }
0x40: {  	v7 =	vld [tilespmem:s31+$0xFFFFF800]  }
0x41: {  	s21 =	simm.s32 $0x10;
	v11 =	vld [tilespmem:s31+$0x0];
	v4 =	vadd.f32 v5, v4  }
0x42: {  	v12 =	vld [tilespmem:s31+$0x400];
	s19 =	sand.u32 $0x3F0, s21  }
0x43: {  	v14 =	vld [tilespmem:s19+$0x4000];
	v4 =	vadd.f32 v8, v4  }
0x44: {  	v5 =	vld [tilespmem:s20+$0x5000]  }
0x45: {  	v8 =	vld [tilespmem:s20+$0x5400];
	v4 =	vadd.f32 v6, v4;
	v6 =	vadd.f32 v10, v7  }
0x46: {  	v10 =	vld [tilespmem:s31+$0x800]  }
0x47: {  	v7 =	vld [tilespmem:s20+$0x5800];
	v4 =	vadd.f32 v9, v4;
	v6 =	vadd.f32 v11, v6  }
0x48: {  	v11 =	vld [tilespmem:s19+$0x1400]  }
0x49: {  	v9 =	vld [tilespmem:s20+$0x5C00];
	v4 =	vadd.f32 v5, v4;
	v5 =	vadd.f32 v12, v6  }
0x4a: {  	v12 =	vld [tilespmem:s19+$0x1800]  }
0x4b: {  	v6 =	vld [tilespmem:s20+$0x6000];
	v4 =	vadd.f32 v8, v4;
	v5 =	vadd.f32 v10, v5  }
0x4c: {  	v10 =	vld [tilespmem:s19+$0x1C00]  }
0x4d: {  	v8 =	vld [tilespmem:s20+$0x6400];
	v4 =	vadd.f32 v7, v4;
	v5 =	vadd.f32 v11, v5  }
0x4e: {  	v11 =	vld [tilespmem:s19+$0x2000]  }
0x4f: {  	v7 =	vld [tilespmem:s20+$0x6800];
	v4 =	vadd.f32 v9, v4;
	v5 =	vadd.f32 v12, v5  }
0x50: {  	v12 =	vld [tilespmem:s19+$0x2400]  }
0x51: {  	v9 =	vld [tilespmem:s20+$0x6C00];
	v4 =	vadd.f32 v6, v4;
	v5 =	vadd.f32 v10, v5  }
0x52: {  	v10 =	vld [tilespmem:s19+$0x2800]  }
0x53: {  	v6 =	vld [tilespmem:s20+$0x7000];
	v4 =	vadd.f32 v8, v4;
	v5 =	vadd.f32 v11, v5  }
0x54: {  	v11 =	vld [tilespmem:s19+$0x2C00]  }
0x55: {  	v8 =	vld [tilespmem:s20+$0x7400];
	v4 =	vadd.f32 v7, v4;
	v5 =	vadd.f32 v12, v5  }
0x56: {  	v12 =	vld [tilespmem:s19+$0x3000]  }
0x57: {  	v7 =	vld [tilespmem:s20+$0x7800];
	v4 =	vadd.f32 v9, v4;
	v5 =	vadd.f32 v10, v5  }
0x58: {  	v10 =	vld [tilespmem:s19+$0x3400]  }
0x59: {  	v9 =	vld [tilespmem:s20+$0x7C00];
	v4 =	vadd.f32 v6, v4;
	v5 =	vadd.f32 v11, v5  }
0x5a: {  	s20 =	simm.s32 $0x10800;
	v11 =	vld [tilespmem:s19+$0x3800]  }
0x5b: {  	v6 =	vld [tilespmem:s20+$0x800];
	v4 =	vadd.f32 v8, v4;
	v5 =	vadd.f32 v12, v5  }
0x5c: {  	v12 =	vld [tilespmem:s19+$0x3C00]  }
0x5d: {  	v8 =	vld [tilespmem:s20+$0xFFFFF800];
	v4 =	vadd.f32 v7, v4;
	v5 =	vadd.f32 v10, v5  }
0x5e: {  	v7 =	vld [tilespmem:s20+$0xFFFFFC00]  }
0x5f: {  	v9 =	vadd.f32 v9, v4;
	v4 =	vadd.f32 v11, v5;
	v11 =	vld [tilespmem:s20+$0x0]  }
0x60: {  	v17 =	vld [tilespmem:s19+$0x4400]  }
0x61: {  	v10 =	vld [tilespmem:s20+$0x400];
	v12 =	vadd.f32 v12, v4  }
0x62: {  	s21 =	simm.s32 $0x820;
	v13 =	vld [tilespmem:s19+$0x4800];
	v6 =	vmul.f32 v6, v9;
	v8 =	vmul.f32 v8, v9  }
0x63: {  	v15 =	vld [tilespmem:s21+$0xFFFFF800];
	v5 =	vimm.f32 $0.0e+00;
	v16 =	vmul.f32 v7, v9;
	v14 =	vadd.f32 v14, v12  }
0x64: {  	v4 =	vadd.f32 v6, v5;
	v12 =	vld [tilespmem:s19+$0x4C00];
	v7 =	vadd.f32 v8, v5;
	v11 =	vmul.f32 v11, v9  }
0x65: {  	s22 =	simm.s32 $0x20;
	s23 =	simm.s32 $0x30;
	v8 =	vimm.f32 $0.0e+00;
	v6 =	vadd.f32 v16, v5;
	v16 =	vld [tilespmem:s21+$0xFFFFFC00];
	v14 =	vadd.f32 v17, v14  }
.LBB2_3:
0x66: {  	p0 =	sne.s32 s23, $0x3F0;
	v17 =	vld [tilespmem:s19+$0x5000];
	v5 =	vadd.f32 v11, v5;
	v9 =	vmul.f32 v10, v9  }
0x67: {  	v10 =	vld [tilespmem:s21+$0x0];
	v11 =	vadd.f32 v13, v14  }
0x68: {  	v13 =	vld [tilespmem:s19+$0x5400];
	v8 =	vadd.f32 v9, v8  }
0x69: {  	v9 =	vld [tilespmem:s21+$0x400];
	v11 =	vadd.f32 v12, v11  }
0x6a: {  	v12 =	vadd.f32 v16, v15;
	v14 =	vld [tilespmem:s19+$0x5800]  }
0x6b: {  	v15 =	vld [tilespmem:s21+$0x800];
	v11 =	vadd.f32 v17, v11  }
0x6c: {  	s24 =	sand.u32 $0x3F0, s22;
	s22 =	smov.u32 s23;
	v10 =	vadd.f32 v10, v12;
	v12 =	vld [tilespmem:s19+$0x5C00]  }
0x6d: {  	v16 =	vld [tilespmem:s24+$0x1400];
	v11 =	vadd.f32 v13, v11  }
0x6e: {  	v9 =	vadd.f32 v9, v10;
	v10 =	vld [tilespmem:s19+$0x6000]  }
0x6f: {  	v13 =	vld [tilespmem:s24+$0x1800];
	v11 =	vadd.f32 v14, v11  }
0x70: {  	v9 =	vadd.f32 v15, v9;
	v14 =	vld [tilespmem:s19+$0x6400]  }
0x71: {  	v15 =	vld [tilespmem:s24+$0x1C00];
	v11 =	vadd.f32 v12, v11  }
0x72: {  	v9 =	vadd.f32 v16, v9;
	v12 =	vld [tilespmem:s19+$0x6800]  }
0x73: {  	v16 =	vld [tilespmem:s24+$0x2000];
	v10 =	vadd.f32 v10, v11  }
0x74: {  	v9 =	vadd.f32 v13, v9;
	v11 =	vld [tilespmem:s19+$0x6C00]  }
0x75: {  	v13 =	vld [tilespmem:s24+$0x2400];
	v10 =	vadd.f32 v14, v10  }
0x76: {  	v9 =	vadd.f32 v15, v9;
	v14 =	vld [tilespmem:s19+$0x7000]  }
0x77: {  	v15 =	vld [tilespmem:s24+$0x2800];
	v10 =	vadd.f32 v12, v10  }
0x78: {  	v9 =	vadd.f32 v16, v9;
	v12 =	vld [tilespmem:s19+$0x7400]  }
0x79: {  	v16 =	vld [tilespmem:s24+$0x2C00];
	v10 =	vadd.f32 v11, v10  }
0x7a: {  	v9 =	vadd.f32 v13, v9;
	v11 =	vld [tilespmem:s19+$0x7800]  }
0x7b: {  	v13 =	vld [tilespmem:s24+$0x3000];
	v10 =	vadd.f32 v14, v10  }
0x7c: {  	v9 =	vadd.f32 v15, v9;
	v14 =	vld [tilespmem:s19+$0x7C00];
	s19 =	smov.u32 s24  }
0x7d: {  	s20 =	sadd.s32 $0x10, s20;
	v15 =	vld [tilespmem:s19+$0x3400];
	v10 =	vadd.f32 v12, v10  }
0x7e: {  	v9 =	vadd.f32 v16, v9;
	v12 =	vld [tilespmem:s20+$0x800]  }
0x7f: {  	v16 =	vld [tilespmem:s19+$0x3800];
	v10 =	vadd.f32 v11, v10  }
0x80: {  	v11 =	vadd.f32 v13, v9;
	v13 =	vld [tilespmem:s20+$0xFFFFF800]  }
0x81: {  	v17 =	vld [tilespmem:s19+$0x3C00];
	v9 =	vadd.f32 v14, v10  }
0x82: {  	v10 =	vadd.f32 v15, v11;
	v11 =	vld [tilespmem:s20+$0xFFFFFC00]  }
0x83: {  	v14 =	vld [tilespmem:s19+$0x4000];
	v12 =	vmul.f32 v12, v9  }
0x84: {  	v10 =	vadd.f32 v16, v10;
	v16 =	vld [tilespmem:s20+$0x0]  }
0x85: {  	v18 =	vld [tilespmem:s19+$0x4400];
	v15 =	vmul.f32 v13, v9;
	v4 =	vadd.f32 v12, v4  }
.Ltmp2:
0x86: {  	v12 =	vadd.f32 v17, v10;
	v10 =	vld [tilespmem:s20+$0x400];
	(pc) =	sbr.rel @p0 .LBB2_3-.Ltmp2, $4  }
0x87: {  	v13 =	vld [tilespmem:s19+$0x4800];
	v7 =	vadd.f32 v15, v7;
	v11 =	vmul.f32 v11, v9  }
0x88: {  	s21 =	sadd.s32 $0x10, s21;
	v14 =	vadd.f32 v14, v12;
	v12 =	vld [tilespmem:s19+$0x4C00]  }
0x89: {  	v15 =	vld [tilespmem:s21+$0xFFFFF800];
	v6 =	vadd.f32 v11, v6;
	v11 =	vmul.f32 v16, v9  }
0x8a: {  	s23 =	sadd.s32 $0x10, s23;
	v16 =	vld [tilespmem:s21+$0xFFFFFC00];
	v14 =	vadd.f32 v18, v14  }
0x8b: {  	_ = 	snop  }
0x8c: {  	v17 =	vld [tilespmem:s21+$0x0];
	_ =	sdelay $0x1  }
0x8d: {  	v18 =	vld [tilespmem:s21+$0x400]  }
0x8e: {  	v15 =	vadd.f32 v16, v15  }
0x8f: {  	v16 =	vld [tilespmem:s21+$0x800]  }
0x90: {  	s25 =	sand.u32 $0x3F0, s22;
	v15 =	vadd.f32 v17, v15  }
0x91: {  	v17 =	vld [tilespmem:s25+$0x1400]  }
0x92: {  	v15 =	vadd.f32 v18, v15  }
0x93: {  	v18 =	vld [tilespmem:s25+$0x1800]  }
0x94: {  	v15 =	vadd.f32 v16, v15  }
0x95: {  	v16 =	vld [tilespmem:s25+$0x1C00]  }
0x96: {  	v15 =	vadd.f32 v17, v15  }
0x97: {  	v17 =	vld [tilespmem:s25+$0x2000]  }
0x98: {  	v15 =	vadd.f32 v18, v15  }
0x99: {  	v18 =	vld [tilespmem:s25+$0x2400]  }
0x9a: {  	v15 =	vadd.f32 v16, v15  }
0x9b: {  	v16 =	vld [tilespmem:s25+$0x2800]  }
0x9c: {  	v15 =	vadd.f32 v17, v15  }
0x9d: {  	v17 =	vld [tilespmem:s25+$0x2C00]  }
0x9e: {  	v15 =	vadd.f32 v18, v15  }
0x9f: {  	v18 =	vld [tilespmem:s25+$0x3000]  }
0xa0: {  	v15 =	vadd.f32 v16, v15  }
0xa1: {  	v16 =	vld [tilespmem:s25+$0x3400]  }
0xa2: {  	v15 =	vadd.f32 v17, v15  }
0xa3: {  	v17 =	vld [tilespmem:s25+$0x3800]  }
0xa4: {  	v15 =	vadd.f32 v18, v15  }
0xa5: {  	v18 =	vld [tilespmem:s25+$0x3C00]  }
0xa6: {  	v15 =	vadd.f32 v16, v15  }
0xa7: {  	v16 =	vld [tilespmem:s25+$0x4000]  }
0xa8: {  	v15 =	vadd.f32 v17, v15  }
0xa9: {  	v17 =	vld [tilespmem:s25+$0x4400]  }
0xaa: {  	v15 =	vadd.f32 v18, v15  }
0xab: {  	v18 =	vld [tilespmem:s25+$0x4800]  }
0xac: {  	v19 =	vld [tilespmem:s19+$0x5000];
	v15 =	vadd.f32 v16, v15  }
0xad: {  	v16 =	vld [tilespmem:s25+$0x4C00]  }
0xae: {  	v13 =	vadd.f32 v13, v14;
	v14 =	vld [tilespmem:s19+$0x5400];
	v15 =	vadd.f32 v17, v15  }
0xaf: {  	v17 =	vld [tilespmem:s25+$0x5000]  }
0xb0: {  	v12 =	vadd.f32 v12, v13;
	v13 =	vld [tilespmem:s19+$0x5800];
	v15 =	vadd.f32 v18, v15  }
0xb1: {  	v18 =	vld [tilespmem:s25+$0x5400]  }
0xb2: {  	v12 =	vadd.f32 v19, v12;
	v19 =	vld [tilespmem:s19+$0x5C00];
	v15 =	vadd.f32 v16, v15  }
0xb3: {  	v16 =	vld [tilespmem:s25+$0x5800]  }
0xb4: {  	v12 =	vadd.f32 v14, v12;
	v14 =	vld [tilespmem:s19+$0x6000];
	v15 =	vadd.f32 v17, v15  }
0xb5: {  	v17 =	vld [tilespmem:s25+$0x5C00]  }
0xb6: {  	v12 =	vadd.f32 v13, v12;
	v13 =	vld [tilespmem:s19+$0x6400];
	v15 =	vadd.f32 v18, v15  }
0xb7: {  	v18 =	vld [tilespmem:s25+$0x6000]  }
0xb8: {  	v12 =	vadd.f32 v19, v12;
	v19 =	vld [tilespmem:s19+$0x6800];
	v15 =	vadd.f32 v16, v15  }
0xb9: {  	v16 =	vld [tilespmem:s25+$0x6400]  }
0xba: {  	v12 =	vadd.f32 v14, v12;
	v14 =	vld [tilespmem:s19+$0x6C00];
	v15 =	vadd.f32 v17, v15  }
0xbb: {  	v17 =	vld [tilespmem:s25+$0x6800]  }
0xbc: {  	v12 =	vadd.f32 v13, v12;
	v13 =	vld [tilespmem:s19+$0x7000];
	v15 =	vadd.f32 v18, v15  }
0xbd: {  	v18 =	vld [tilespmem:s25+$0x6C00]  }
0xbe: {  	v12 =	vadd.f32 v19, v12;
	v19 =	vld [tilespmem:s19+$0x7400];
	v15 =	vadd.f32 v16, v15  }
0xbf: {  	v16 =	vld [tilespmem:s25+$0x7000]  }
0xc0: {  	v12 =	vadd.f32 v14, v12;
	v14 =	vld [tilespmem:s19+$0x7800];
	v15 =	vadd.f32 v17, v15  }
0xc1: {  	v17 =	vld [tilespmem:s25+$0x7400]  }
0xc2: {  	v12 =	vadd.f32 v13, v12;
	v13 =	vld [tilespmem:s19+$0x7C00];
	v15 =	vadd.f32 v18, v15  }
0xc3: {  	s26 =	sadd.s32 $0x10, s20;
	v18 =	vld [tilespmem:s25+$0x7800]  }
0xc4: {  	v12 =	vadd.f32 v19, v12;
	v19 =	vld [tilespmem:s26+$0xFFFFF800];
	v15 =	vadd.f32 v16, v15  }
0xc5: {  	v16 =	vld [tilespmem:s25+$0x7C00]  }
0xc6: {  	s20 =	sadd.s32 $0x10, s26;
	v12 =	vadd.f32 v14, v12;
	v14 =	vld [tilespmem:s26+$0xFFFFFC00];
	v15 =	vadd.f32 v17, v15  }
0xc7: {  	v17 =	vld [tilespmem:s20+$0xFFFFF800]  }
0xc8: {  	v12 =	vadd.f32 v13, v12;
	v13 =	vld [tilespmem:s26+$0x0];
	v15 =	vadd.f32 v18, v15  }
0xc9: {  	v20 =	vld [tilespmem:s20+$0x0]  }
0xca: {  	v19 =	vmul.f32 v19, v12;
	v15 =	vadd.f32 v16, v15;
	v16 =	vld [tilespmem:s20+$0xFFFFFC00]  }
0xcb: {  	v9 =	vmul.f32 v10, v9;
	v5 =	vadd.f32 v11, v5;
	v18 =	vld [tilespmem:s26+$0x400]  }
0xcc: {  	v10 =	vld [tilespmem:s26+$0x800];
	v11 =	vmul.f32 v14, v12;
	v7 =	vadd.f32 v19, v7;
	v17 =	vmul.f32 v17, v15  }
0xcd: {  	v8 =	vadd.f32 v9, v8;
	v14 =	vld [tilespmem:s20+$0x400];
	v9 =	vmul.f32 v13, v12  }
0xce: {  	v13 =	vld [tilespmem:s20+$0x800];
	v6 =	vadd.f32 v11, v6;
	v7 =	vadd.f32 v17, v7  }
0xcf: {  	v5 =	vadd.f32 v9, v5;
	v9 =	vmul.f32 v20, v15;
	v16 =	vmul.f32 v16, v15  }
0xd0: {  	v11 =	vmul.f32 v18, v12;
	v17 =	vperm.xlane v7, v0  }
0xd1: {  	v10 =	vmul.f32 v10, v12;
	v5 =	vadd.f32 v9, v5;
	v6 =	vadd.f32 v16, v6  }
0xd2: {  	v9 =	vmul.f32 v14, v15;
	v8 =	vadd.f32 v11, v8;
	v7 =	vadd.f32 v17, v7  }
0xd3: {  	v4 =	vadd.f32 v10, v4;
	v10 =	vmul.f32 v13, v15;
	v11 =	vperm.xlane v6, v0  }
0xd4: {  	v12 =	vperm.xlane v5, v0;
	v8 =	vadd.f32 v9, v8;
	v9 =	vperm.xlane v7, v1  }
0xd5: {  	v4 =	vadd.f32 v10, v4;
	v6 =	vadd.f32 v11, v6  }
0xd6: {  	v5 =	vadd.f32 v12, v5;
	v7 =	vadd.f32 v9, v7;
	v9 =	vperm.xlane v8, v0  }
0xd7: {  	v11 =	vperm.xlane v4, v0;
	v10 =	vperm.xlane v6, v1  }
0xd8: {  	v13 =	vperm.xlane v5, v1;
	v12 =	vperm.xlane v7, v2;
	v8 =	vadd.f32 v9, v8  }
0xd9: {  	v4 =	vadd.f32 v11, v4;
	v6 =	vadd.f32 v10, v6  }
0xda: {  	v5 =	vadd.f32 v13, v5;
	v7 =	vadd.f32 v12, v7;
	v9 =	vperm.xlane v8, v1  }
0xdb: {  	v10 =	vld [tilespmem:$0x11400];
	v12 =	vperm.xlane v4, v1;
	v11 =	vperm.xlane v6, v2  }
0xdc: {  	v14 =	vperm.xlane v5, v2;
	v13 =	vperm.xlane v7, v3;
	v8 =	vadd.f32 v9, v8  }
0xdd: {  	v4 =	vadd.f32 v12, v4;
	v6 =	vadd.f32 v11, v6  }
0xde: {  	v5 =	vadd.f32 v14, v5;
	v7 =	vadd.f32 v13, v7;
	v9 =	vperm.xlane v8, v2  }
0xdf: {  	v12 =	vperm.xlane v4, v2;
	v11 =	vperm.xlane v6, v3  }
0xe0: {  	v13 =	vperm.xlane v5, v3;
	v7 =	vadd.f32 v7, v10;
	v8 =	vadd.f32 v9, v8  }
0xe1: {  	v4 =	vadd.f32 v12, v4;
	v6 =	vadd.f32 v11, v6  }
0xe2: {  	v5 =	vadd.f32 v13, v5;
	v9 =	vperm.xlane v8, v3  }
0xe3: {  	v7 =	vsel vm0, v7, v10;
	v6 =	vadd.f32 v6, v10;
	v10 =	vperm.xlane v4, v3  }
0xe4: {  	v5 =	vadd.f32 v5, v7;
	v8 =	vadd.f32 v9, v8  }
0xe5: {  	v6 =	vsel vm1, v7, v6;
	v4 =	vadd.f32 v10, v4  }
0xe6: {  	v5 =	vsel vm2, v6, v5;
	v6 =	vadd.f32 v8, v6  }
0xe7: {  	p0 =	seq.s32 s18, $0xB;
	s19 =	sshll.u32 s18, $0x10;
	v4 =	vadd.f32 v4, v5  }
0xe8: {  	s28 =	sshll.u32 s18, $0x8;
	s21 =	sadd.s32 @!p0 s19, s7;
	v5 =	vsel vm3, v5, v6  }
0xe9: {  	s21 =	sshrl.u32 @!p0 s21, $0x3;
	s20 =	sand.u32 $0x3FFFFF00, s28;
	v4 =	vsel vm4, v5, v4  }
0xea: {  	s22 =	simm.s32 @!p0 $0x0;
	s21 =	sadd.s32 @!p0 s1, s21;
	[tilespmem:s20+$0x11480] =	vst v4  }
0xeb: {  	[tilespmem:s22], [sflag:$0x1] =	stream.linear.gather @!p0 [hbm4b:s21+s22], $0x8000, $0x38;
	[tilespmem:$0x12080] =	vst v63  }
0xec: {  	_ =	swait.ge [sflag:s15], $0x8000  }
0xed: {  	[sflag:s15] =	ssyncset.done $0x0  }
0xee: {  	s29 =	simm.s32 $0x8800;
	[sflag:s15] =	ssyncadd.s32 $0xFFFF8000  }
0xef: {  	v4 =	vld [tilespmem:s29+$0xFFFFF800]  }
0xf0: {  	v5 =	vld [tilespmem:s29+$0xFFFFFC00];
	_ =	sdelay $0x1  }
0xf1: {  	v6 =	vld [tilespmem:s29+$0x0];
	_ =	sdelay $0x1  }
0xf2: {  	v7 =	vld [tilespmem:s29+$0x400]  }
0xf3: {  	v4 =	vadd.f32 v5, v4  }
0xf4: {  	s30 =	simm.s32 $0x0;
	v5 =	vld [tilespmem:s29+$0x800]  }
0xf5: {  	s22 =	sand.u32 $0x3F0, s30;
	v4 =	vadd.f32 v6, v4  }
0xf6: {  	v6 =	vld [tilespmem:s22+$0x9400]  }
0xf7: {  	v4 =	vadd.f32 v7, v4  }
0xf8: {  	v7 =	vld [tilespmem:s22+$0x9800]  }
0xf9: {  	v4 =	vadd.f32 v5, v4  }
0xfa: {  	v5 =	vld [tilespmem:s22+$0x9C00]  }
0xfb: {  	v4 =	vadd.f32 v6, v4  }
0xfc: {  	v6 =	vld [tilespmem:s22+$0xA000]  }
0xfd: {  	v4 =	vadd.f32 v7, v4  }
0xfe: {  	v7 =	vld [tilespmem:s22+$0xA400]  }
0xff: {  	v4 =	vadd.f32 v5, v4  }
0x100: {  	v5 =	vld [tilespmem:s22+$0xA800]  }
0x101: {  	v4 =	vadd.f32 v6, v4  }
0x102: {  	v6 =	vld [tilespmem:s22+$0xAC00]  }
0x103: {  	v4 =	vadd.f32 v7, v4  }
0x104: {  	v7 =	vld [tilespmem:s22+$0xB000]  }
0x105: {  	v4 =	vadd.f32 v5, v4  }
0x106: {  	v5 =	vld [tilespmem:s22+$0xB400]  }
0x107: {  	v4 =	vadd.f32 v6, v4  }
0x108: {  	v6 =	vld [tilespmem:s22+$0xB800]  }
0x109: {  	v4 =	vadd.f32 v7, v4  }
0x10a: {  	v7 =	vld [tilespmem:s22+$0xBC00]  }
0x10b: {  	v8 =	vld [tilespmem:s22+$0xC400];
	v4 =	vadd.f32 v5, v4  }
0x10c: {  	v5 =	vld [tilespmem:s22+$0xC000]  }
0x10d: {  	s31 =	simm.s32 $0x8810;
	v9 =	vld [tilespmem:s22+$0xCC00];
	v4 =	vadd.f32 v6, v4  }
0x10e: {  	v10 =	vld [tilespmem:s31+$0xFFFFFC00]  }
0x10f: {  	v6 =	vld [tilespmem:s22+$0xC800];
	v4 =	vadd.f32 v7, v4  }
0x110: {  	v7 =	vld [tilespmem:s31+$0xFFFFF800]  }
0x111: {  	s23 =	simm.s32 $0x10;
	v11 =	vld [tilespmem:s31+$0x0];
	v4 =	vadd.f32 v5, v4  }
0x112: {  	s21 =	sand.u32 $0x3F0, s23;
	v12 =	vld [tilespmem:s31+$0x400]  }
0x113: {  	v14 =	vld [tilespmem:s21+$0xC000];
	v4 =	vadd.f32 v8, v4  }
0x114: {  	v5 =	vld [tilespmem:s22+$0xD000]  }
0x115: {  	v8 =	vld [tilespmem:s22+$0xD400];
	v4 =	vadd.f32 v6, v4;
	v6 =	vadd.f32 v10, v7  }
0x116: {  	v10 =	vld [tilespmem:s31+$0x800]  }
0x117: {  	v7 =	vld [tilespmem:s22+$0xD800];
	v4 =	vadd.f32 v9, v4;
	v6 =	vadd.f32 v11, v6  }
0x118: {  	v11 =	vld [tilespmem:s21+$0x9400]  }
0x119: {  	v9 =	vld [tilespmem:s22+$0xDC00];
	v4 =	vadd.f32 v5, v4;
	v5 =	vadd.f32 v12, v6  }
0x11a: {  	v12 =	vld [tilespmem:s21+$0x9800]  }
0x11b: {  	v6 =	vld [tilespmem:s22+$0xE000];
	v4 =	vadd.f32 v8, v4;
	v5 =	vadd.f32 v10, v5  }
0x11c: {  	v10 =	vld [tilespmem:s21+$0x9C00]  }
0x11d: {  	v8 =	vld [tilespmem:s22+$0xE400];
	v4 =	vadd.f32 v7, v4;
	v5 =	vadd.f32 v11, v5  }
0x11e: {  	v11 =	vld [tilespmem:s21+$0xA000]  }
0x11f: {  	v7 =	vld [tilespmem:s22+$0xE800];
	v4 =	vadd.f32 v9, v4;
	v5 =	vadd.f32 v12, v5  }
0x120: {  	v12 =	vld [tilespmem:s21+$0xA400]  }
0x121: {  	v9 =	vld [tilespmem:s22+$0xEC00];
	v4 =	vadd.f32 v6, v4;
	v5 =	vadd.f32 v10, v5  }
0x122: {  	v10 =	vld [tilespmem:s21+$0xA800]  }
0x123: {  	v6 =	vld [tilespmem:s22+$0xF000];
	v4 =	vadd.f32 v8, v4;
	v5 =	vadd.f32 v11, v5  }
0x124: {  	v11 =	vld [tilespmem:s21+$0xAC00]  }
0x125: {  	v8 =	vld [tilespmem:s22+$0xF400];
	v4 =	vadd.f32 v7, v4;
	v5 =	vadd.f32 v12, v5  }
0x126: {  	v12 =	vld [tilespmem:s21+$0xB000]  }
0x127: {  	v7 =	vld [tilespmem:s22+$0xF800];
	v4 =	vadd.f32 v9, v4;
	v5 =	vadd.f32 v10, v5  }
0x128: {  	v10 =	vld [tilespmem:s21+$0xB400]  }
0x129: {  	v9 =	vld [tilespmem:s22+$0xFC00];
	v4 =	vadd.f32 v6, v4;
	v5 =	vadd.f32 v11, v5  }
0x12a: {  	s22 =	simm.s32 $0x10800;
	v11 =	vld [tilespmem:s21+$0xB800]  }
0x12b: {  	v6 =	vld [tilespmem:s22+$0x800];
	v4 =	vadd.f32 v8, v4;
	v5 =	vadd.f32 v12, v5  }
0x12c: {  	v12 =	vld [tilespmem:s21+$0xBC00]  }
0x12d: {  	v8 =	vld [tilespmem:s22+$0xFFFFF800];
	v4 =	vadd.f32 v7, v4;
	v5 =	vadd.f32 v10, v5  }
0x12e: {  	v7 =	vld [tilespmem:s22+$0xFFFFFC00]  }
0x12f: {  	v9 =	vadd.f32 v9, v4;
	v4 =	vadd.f32 v11, v5;
	v11 =	vld [tilespmem:s22+$0x0]  }
0x130: {  	v17 =	vld [tilespmem:s21+$0xC400]  }
0x131: {  	v10 =	vld [tilespmem:s22+$0x400];
	v12 =	vadd.f32 v12, v4  }
0x132: {  	s23 =	simm.s32 $0x8820;
	v13 =	vld [tilespmem:s21+$0xC800];
	v6 =	vmul.f32 v6, v9;
	v8 =	vmul.f32 v8, v9  }
0x133: {  	v15 =	vld [tilespmem:s23+$0xFFFFF800];
	v5 =	vimm.f32 $0.0e+00;
	v16 =	vmul.f32 v7, v9;
	v14 =	vadd.f32 v14, v12  }
0x134: {  	v4 =	vadd.f32 v6, v5;
	v12 =	vld [tilespmem:s21+$0xCC00];
	v7 =	vadd.f32 v8, v5;
	v11 =	vmul.f32 v11, v9  }
0x135: {  	s24 =	simm.s32 $0x20;
	s25 =	simm.s32 $0x30;
	v8 =	vimm.f32 $0.0e+00;
	v6 =	vadd.f32 v16, v5;
	v16 =	vld [tilespmem:s23+$0xFFFFFC00];
	v14 =	vadd.f32 v17, v14  }
.LBB2_5:
0x136: {  	p1 =	sne.s32 s25, $0x3F0;
	v17 =	vld [tilespmem:s21+$0xD000];
	v5 =	vadd.f32 v11, v5;
	v9 =	vmul.f32 v10, v9  }
0x137: {  	v10 =	vld [tilespmem:s23+$0x0];
	v11 =	vadd.f32 v13, v14  }
0x138: {  	v13 =	vld [tilespmem:s21+$0xD400];
	v8 =	vadd.f32 v9, v8  }
0x139: {  	v9 =	vld [tilespmem:s23+$0x400];
	v11 =	vadd.f32 v12, v11  }
0x13a: {  	v12 =	vadd.f32 v16, v15;
	v14 =	vld [tilespmem:s21+$0xD800]  }
0x13b: {  	v15 =	vld [tilespmem:s23+$0x800];
	v11 =	vadd.f32 v17, v11  }
0x13c: {  	s26 =	sand.u32 $0x3F0, s24;
	s24 =	smov.u32 s25;
	v10 =	vadd.f32 v10, v12;
	v12 =	vld [tilespmem:s21+$0xDC00]  }
0x13d: {  	v16 =	vld [tilespmem:s26+$0x9400];
	v11 =	vadd.f32 v13, v11  }
0x13e: {  	v9 =	vadd.f32 v9, v10;
	v10 =	vld [tilespmem:s21+$0xE000]  }
0x13f: {  	v13 =	vld [tilespmem:s26+$0x9800];
	v11 =	vadd.f32 v14, v11  }
0x140: {  	v9 =	vadd.f32 v15, v9;
	v14 =	vld [tilespmem:s21+$0xE400]  }
0x141: {  	v15 =	vld [tilespmem:s26+$0x9C00];
	v11 =	vadd.f32 v12, v11  }
0x142: {  	v9 =	vadd.f32 v16, v9;
	v12 =	vld [tilespmem:s21+$0xE800]  }
0x143: {  	v16 =	vld [tilespmem:s26+$0xA000];
	v10 =	vadd.f32 v10, v11  }
0x144: {  	v9 =	vadd.f32 v13, v9;
	v11 =	vld [tilespmem:s21+$0xEC00]  }
0x145: {  	v13 =	vld [tilespmem:s26+$0xA400];
	v10 =	vadd.f32 v14, v10  }
0x146: {  	v9 =	vadd.f32 v15, v9;
	v14 =	vld [tilespmem:s21+$0xF000]  }
0x147: {  	v15 =	vld [tilespmem:s26+$0xA800];
	v10 =	vadd.f32 v12, v10  }
0x148: {  	v9 =	vadd.f32 v16, v9;
	v12 =	vld [tilespmem:s21+$0xF400]  }
0x149: {  	v16 =	vld [tilespmem:s26+$0xAC00];
	v10 =	vadd.f32 v11, v10  }
0x14a: {  	v9 =	vadd.f32 v13, v9;
	v11 =	vld [tilespmem:s21+$0xF800]  }
0x14b: {  	v13 =	vld [tilespmem:s26+$0xB000];
	v10 =	vadd.f32 v14, v10  }
0x14c: {  	v9 =	vadd.f32 v15, v9;
	v14 =	vld [tilespmem:s21+$0xFC00];
	s21 =	smov.u32 s26  }
0x14d: {  	s22 =	sadd.s32 $0x10, s22;
	v15 =	vld [tilespmem:s21+$0xB400];
	v10 =	vadd.f32 v12, v10  }
0x14e: {  	v9 =	vadd.f32 v16, v9;
	v12 =	vld [tilespmem:s22+$0x800]  }
0x14f: {  	v16 =	vld [tilespmem:s21+$0xB800];
	v10 =	vadd.f32 v11, v10  }
0x150: {  	v11 =	vadd.f32 v13, v9;
	v13 =	vld [tilespmem:s22+$0xFFFFF800]  }
0x151: {  	v17 =	vld [tilespmem:s21+$0xBC00];
	v9 =	vadd.f32 v14, v10  }
0x152: {  	v10 =	vadd.f32 v15, v11;
	v11 =	vld [tilespmem:s22+$0xFFFFFC00]  }
0x153: {  	v14 =	vld [tilespmem:s21+$0xC000];
	v12 =	vmul.f32 v12, v9  }
0x154: {  	v10 =	vadd.f32 v16, v10;
	v16 =	vld [tilespmem:s22+$0x0]  }
0x155: {  	v18 =	vld [tilespmem:s21+$0xC400];
	v15 =	vmul.f32 v13, v9;
	v4 =	vadd.f32 v12, v4  }
.Ltmp3:
0x156: {  	v12 =	vadd.f32 v17, v10;
	v10 =	vld [tilespmem:s22+$0x400];
	(pc) =	sbr.rel @p1 .LBB2_5-.Ltmp3, $4  }
0x157: {  	v13 =	vld [tilespmem:s21+$0xC800];
	v7 =	vadd.f32 v15, v7;
	v11 =	vmul.f32 v11, v9  }
0x158: {  	s23 =	sadd.s32 $0x10, s23;
	v14 =	vadd.f32 v14, v12;
	v12 =	vld [tilespmem:s21+$0xCC00]  }
0x159: {  	v15 =	vld [tilespmem:s23+$0xFFFFF800];
	v6 =	vadd.f32 v11, v6;
	v11 =	vmul.f32 v16, v9  }
0x15a: {  	s25 =	sadd.s32 $0x10, s25;
	v16 =	vld [tilespmem:s23+$0xFFFFFC00];
	v14 =	vadd.f32 v18, v14  }
0x15b: {  	_ = 	snop  }
0x15c: {  	v17 =	vld [tilespmem:s23+$0x0];
	_ =	sdelay $0x1  }
0x15d: {  	v18 =	vld [tilespmem:s23+$0x400]  }
0x15e: {  	v15 =	vadd.f32 v16, v15  }
0x15f: {  	v38 =	vld [tilespmem:s23+$0x800]  }
0x160: {  	s30 =	sand.u32 $0x3F0, s24;
	v15 =	vadd.f32 v17, v15  }
0x161: {  	v39 =	vld [tilespmem:s30+$0x9400]  }
0x162: {  	v15 =	vadd.f32 v18, v15  }
0x163: {  	v40 =	vld [tilespmem:s30+$0x9800]  }
0x164: {  	v15 =	vadd.f32 v38, v15  }
0x165: {  	v41 =	vld [tilespmem:s30+$0x9C00]  }
0x166: {  	v15 =	vadd.f32 v39, v15  }
0x167: {  	v42 =	vld [tilespmem:s30+$0xA000]  }
0x168: {  	v15 =	vadd.f32 v40, v15  }
0x169: {  	v43 =	vld [tilespmem:s30+$0xA400]  }
0x16a: {  	v15 =	vadd.f32 v41, v15  }
0x16b: {  	v44 =	vld [tilespmem:s30+$0xA800]  }
0x16c: {  	v15 =	vadd.f32 v42, v15  }
0x16d: {  	v45 =	vld [tilespmem:s30+$0xAC00]  }
0x16e: {  	v15 =	vadd.f32 v43, v15  }
0x16f: {  	v46 =	vld [tilespmem:s30+$0xB000]  }
0x170: {  	v15 =	vadd.f32 v44, v15  }
0x171: {  	v47 =	vld [tilespmem:s30+$0xB400]  }
0x172: {  	v15 =	vadd.f32 v45, v15  }
0x173: {  	v48 =	vld [tilespmem:s30+$0xB800]  }
0x174: {  	v15 =	vadd.f32 v46, v15  }
0x175: {  	v49 =	vld [tilespmem:s30+$0xBC00]  }
0x176: {  	v15 =	vadd.f32 v47, v15  }
0x177: {  	v50 =	vld [tilespmem:s30+$0xC000]  }
0x178: {  	v19 =	vld [tilespmem:s21+$0xD000];
	v15 =	vadd.f32 v48, v15  }
0x179: {  	v51 =	vld [tilespmem:s30+$0xC400]  }
0x17a: {  	v54 =	vld [tilespmem:s21+$0xD400];
	v15 =	vadd.f32 v49, v15  }
0x17b: {  	v52 =	vld [tilespmem:s30+$0xC800]  }
0x17c: {  	v56 =	vld [tilespmem:s21+$0xD800];
	v15 =	vadd.f32 v50, v15  }
0x17d: {  	v53 =	vld [tilespmem:s30+$0xCC00]  }
0x17e: {  	v58 =	vld [tilespmem:s21+$0xDC00];
	v13 =	vadd.f32 v13, v14;
	v15 =	vadd.f32 v51, v15  }
0x17f: {  	v55 =	vld [tilespmem:s30+$0xD000]  }
0x180: {  	v60 =	vld [tilespmem:s21+$0xE000];
	v12 =	vadd.f32 v12, v13;
	v15 =	vadd.f32 v52, v15  }
0x181: {  	v57 =	vld [tilespmem:s30+$0xD400]  }
0x182: {  	v62 =	vld [tilespmem:s21+$0xE400];
	v12 =	vadd.f32 v19, v12;
	v15 =	vadd.f32 v53, v15  }
0x183: {  	v59 =	vld [tilespmem:s30+$0xD800]  }
0x184: {  	v21 =	vld [tilespmem:s21+$0xE800];
	v12 =	vadd.f32 v54, v12;
	v15 =	vadd.f32 v55, v15  }
0x185: {  	v61 =	vld [tilespmem:s30+$0xDC00]  }
0x186: {  	v23 =	vld [tilespmem:s21+$0xEC00];
	v12 =	vadd.f32 v56, v12;
	v15 =	vadd.f32 v57, v15  }
0x187: {  	v63 =	vld [tilespmem:s30+$0xE000]  }
0x188: {  	v25 =	vld [tilespmem:s21+$0xF000];
	v12 =	vadd.f32 v58, v12;
	v15 =	vadd.f32 v59, v15  }
0x189: {  	v22 =	vld [tilespmem:s30+$0xE400]  }
0x18a: {  	v27 =	vld [tilespmem:s21+$0xF400];
	v12 =	vadd.f32 v60, v12;
	v15 =	vadd.f32 v61, v15  }
0x18b: {  	v24 =	vld [tilespmem:s30+$0xE800]  }
0x18c: {  	v29 =	vld [tilespmem:s21+$0xF800];
	v12 =	vadd.f32 v62, v12;
	v15 =	vadd.f32 v63, v15  }
0x18d: {  	v26 =	vld [tilespmem:s30+$0xEC00]  }
0x18e: {  	v31 =	vld [tilespmem:s21+$0xFC00];
	v12 =	vadd.f32 v21, v12;
	v15 =	vadd.f32 v22, v15  }
0x18f: {  	v28 =	vld [tilespmem:s30+$0xF000]  }
0x190: {  	v30 =	vld [tilespmem:s30+$0xF400];
	v12 =	vadd.f32 v23, v12;
	v15 =	vadd.f32 v24, v15  }
0x191: {  	s31 =	sadd.s32 $0x10, s22;
	v32 =	vld [tilespmem:s30+$0xF800]  }
0x192: {  	v33 =	vld [tilespmem:s31+$0xFFFFF800];
	v12 =	vadd.f32 v25, v12;
	v15 =	vadd.f32 v26, v15  }
0x193: {  	v34 =	vld [tilespmem:s30+$0xFC00]  }
0x194: {  	v35 =	vld [tilespmem:s31+$0xFFFFFC00];
	v12 =	vadd.f32 v27, v12;
	v15 =	vadd.f32 v28, v15  }
0x195: {  	s22 =	sadd.s32 $0x10, s31;
	v37 =	vld [tilespmem:s31+$0x0]  }
0x196: {  	v36 =	vld [tilespmem:s22+$0xFFFFF800];
	v12 =	vadd.f32 v29, v12;
	v15 =	vadd.f32 v30, v15  }
0x197: {  	v38 =	vld [tilespmem:s31+$0x400]  }
0x198: {  	v40 =	vld [tilespmem:s31+$0x800];
	v12 =	vadd.f32 v31, v12;
	v15 =	vadd.f32 v32, v15  }
0x199: {  	v39 =	vld [tilespmem:s22+$0xFFFFFC00]  }
0x19a: {  	v20 =	vld [tilespmem:s22+$0x0];
	v19 =	vmul.f32 v33, v12;
	v15 =	vadd.f32 v34, v15  }
0x19b: {  	v9 =	vmul.f32 v10, v9;
	v5 =	vadd.f32 v11, v5;
	v42 =	vld [tilespmem:s22+$0x400];
	v41 =	vmul.f32 v35, v12  }
0x19c: {  	v44 =	vld [tilespmem:s22+$0x800];
	v43 =	vmul.f32 v37, v12;
	v7 =	vadd.f32 v19, v7;
	v17 =	vmul.f32 v36, v15  }
0x19d: {  	v8 =	vadd.f32 v9, v8;
	v45 =	vmul.f32 v38, v12;
	v10 =	vmul.f32 v40, v12  }
0x19e: {  	v6 =	vadd.f32 v41, v6;
	v16 =	vmul.f32 v39, v15;
	v7 =	vadd.f32 v17, v7  }
0x19f: {  	v5 =	vadd.f32 v43, v5;
	v8 =	vadd.f32 v45, v8;
	v46 =	vmul.f32 v20, v15  }
0x1a0: {  	v4 =	vadd.f32 v10, v4;
	v6 =	vadd.f32 v16, v6;
	v17 =	vperm.xlane v7, v0  }
0x1a1: {  	v47 =	vmul.f32 v42, v15;
	v48 =	vmul.f32 v44, v15;
	v5 =	vadd.f32 v46, v5  }
0x1a2: {  	v49 =	vperm.xlane v6, v0;
	v7 =	vadd.f32 v17, v7  }
0x1a3: {  	v8 =	vadd.f32 v47, v8;
	v4 =	vadd.f32 v48, v4;
	v51 =	vperm.xlane v5, v0  }
0x1a4: {  	v6 =	vadd.f32 v49, v6;
	v50 =	vperm.xlane v7, v1  }
0x1a5: {  	v52 =	vperm.xlane v8, v0;
	v54 =	vperm.xlane v4, v0;
	v5 =	vadd.f32 v51, v5  }
0x1a6: {  	v53 =	vperm.xlane v6, v1;
	v7 =	vadd.f32 v50, v7  }
0x1a7: {  	v8 =	vadd.f32 v52, v8;
	v4 =	vadd.f32 v54, v4;
	v56 =	vperm.xlane v5, v1  }
0x1a8: {  	v6 =	vadd.f32 v53, v6;
	v55 =	vperm.xlane v7, v2  }
0x1a9: {  	v9 =	vperm.xlane v8, v1;
	v59 =	vperm.xlane v4, v1;
	v5 =	vadd.f32 v56, v5  }
0x1aa: {  	v58 =	vperm.xlane v6, v2;
	v7 =	vadd.f32 v55, v7  }
0x1ab: {  	v57 =	vld [tilespmem:$0x11400];
	v8 =	vadd.f32 v9, v8;
	v4 =	vadd.f32 v59, v4;
	v61 =	vperm.xlane v5, v2  }
0x1ac: {  	v6 =	vadd.f32 v58, v6;
	v60 =	vperm.xlane v7, v3  }
0x1ad: {  	v9 =	vperm.xlane v8, v2;
	v12 =	vperm.xlane v4, v2;
	v5 =	vadd.f32 v61, v5  }
0x1ae: {  	v11 =	vperm.xlane v6, v3;
	v7 =	vadd.f32 v60, v7  }
0x1af: {  	v8 =	vadd.f32 v9, v8;
	v4 =	vadd.f32 v12, v4;
	v62 =	vperm.xlane v5, v3  }
0x1b0: {  	v6 =	vadd.f32 v11, v6;
	v7 =	vadd.f32 v7, v57  }
0x1b1: {  	v9 =	vperm.xlane v8, v3;
	v5 =	vadd.f32 v62, v5  }
0x1b2: {  	v63 =	vperm.xlane v4, v3;
	v6 =	vadd.f32 v6, v57;
	v7 =	vsel vm0, v7, v57  }
0x1b3: {  	v8 =	vadd.f32 v9, v8;
	v5 =	vadd.f32 v5, v7  }
0x1b4: {  	v4 =	vadd.f32 v63, v4;
	v6 =	vsel vm1, v7, v6  }
.Ltmp4:
0x1b5: {  	v5 =	vsel vm2, v6, v5;
	v6 =	vadd.f32 v8, v6;
	(pc) =	sbr.rel @p0 .LBB2_8-.Ltmp4, $4  }
0x1b6: {  	v4 =	vadd.f32 v4, v5  }
0x1b7: {  	v5 =	vsel vm3, v5, v6  }
0x1b8: {  	v4 =	vsel vm4, v5, v4  }
0x1b9: {  	[tilespmem:s20+$0x11500] =	vst v4  }
.Ltmp5:
0x1ba: {  	(pc) =	sbr.rel .LBB2_2-.Ltmp5, $4  }
0x1bb: {  	s19 =	sadd.s32 s19, s8  }
0x1bc: {  	s19 =	sshrl.u32 s19, $0x3  }
0x1bd: {  	s18 =	sadd.s32 $0x1, s18;
	s19 =	sadd.s32 s1, s19  }
0x1be: {  	[tilespmem:s13], [sflag:$0x2] =	stream.linear.gather [hbm4b:s19+s4], $0x8000, $0x38;
	[tilespmem:$0x12080] =	vst v63  }
.LBB2_9:
0x1bf: {  	_ =	sfence.sel $0x180000  }
0x1c0: {  	[bflag:$0x0] =	sbarrier.arrive $0xFFFF  }
0x1c1: {  	p0 =	sne.s32 s0, $0x0;
	_ =	strace $0x90000047  }
0x1c2: {  	s0 =	sadd.s32 @!p0 $0x100000, s3;
	[bflag:$0x2] =	sbarrier.arrive $0xFFFF  }
0x1c3: {  	[sflag:s0] =	ssyncadd.tile.s32 @!p0 $0x1;
	_ =	shalt  }
.Lfunc_end2:
_tile_overlayer_lowered:
.L_overlay_start_2:
0x1c4: {  	(tag) =	ssettag $0x2  }
0x1c5: {  	s0 =	rddreg [dreg:$0x0];
	s2 =	stileid.u32  }
0x1c6: {  	s1 =	rddreg [dreg:$0x1];
	p0 =	sne.s32 s2, $0x0  }
0x1c7: {  	s3 =	rddreg [dreg:$0x2];
	[bflag:$0x3] =	sbarrier.arrive $0xFFFF;
	s2 =	simm.s32 @!p0 $0x1C03  }
0x1c8: {  	[timem:s3], [sflag:s2] =	dma.local @!p0 [hbm:s0], s1  }
0x1c9: {  	s0 =	simm.s32 @!p0 $0x3  }
0x1ca: {  	_ =	swait.ge @!p0 [sflag:s0], s1  }
0x1cb: {  	s1 =	ssub.s32 @!p0 $0x0, s1;
	[sflag:s0] =	ssyncset.done @!p0 $0x0  }
0x1cc: {  	[sflag:s0] =	ssyncadd.s32 @!p0 s1  }
0x1cd: {  	[bflag:$0x3] =	sbarrier.arrive $0xFFFF  }
0x1ce: {  	_ =	shalt  }

</sc_bundles>
